<compile_context>
chip_gen: v7x
topology: tpu7x:2x2x1
jax: 0.10.2.dev20260603
libtpu: 0.0.44.dev20260713+nightly
codegen_flags: <defaults>
</compile_context>

<pallas_src>
import functools

import numpy as np
import jax
import jax.numpy as jnp
from jax import lax
from jax.experimental import pallas as pl
from jax.experimental.pallas import tpu as pltpu
import jax.experimental.pallas.tpu_sc as plsc

N = 100000
E = 6400000
NODE_TYPE_SIZE = 9
HID = 16

NC = 2
NS = 16
NW = NC * NS

ROW = 24
G = 128
GPC = 16
NCHUNK = 98
GROUPS_PT = GPC * NCHUNK
EPT = GROUPS_PT * G
E_PAD = EPT * NW
N_PAD = 102400
AGG_ROWS = 100352
RPT = AGG_ROWS // NS
RB = 2048



def _tables_body(x_ref, nt_ref, pos_ref, w1a_ref, w1b_ref, w1p_ref, be1_ref,
                 ta_ref, tb_ref):
    xv = x_ref[...]
    nt = nt_ref[...]
    oh = (nt == lax.broadcasted_iota(jnp.int32, (RB, NODE_TYPE_SIZE), 1))
    nf = jnp.concatenate([xv, oh.astype(jnp.float32)], axis=1)
    pos = pos_ref[...]
    q = jnp.dot(pos, w1p_ref[...], preferred_element_type=jnp.float32)
    pa = jnp.dot(nf, w1a_ref[...], preferred_element_type=jnp.float32) + q + be1_ref[...]
    pb = jnp.dot(nf, w1b_ref[...], preferred_element_type=jnp.float32) - q
    post = jnp.tile(pos, (1, 4))
    ta_ref[...] = jnp.concatenate([pa, post], axis=1)
    tb_ref[...] = jnp.concatenate([pb, post], axis=1)


def _build_tables(x_p, nt_p, pos_p, w1a, w1b, w1p, be1r):
    grid = (N_PAD // RB,)
    return pl.pallas_call(
        _tables_body,
        out_shape=(jax.ShapeDtypeStruct((N_PAD, ROW), jnp.float32),
                   jax.ShapeDtypeStruct((N_PAD, ROW), jnp.float32)),
        grid=grid,
        in_specs=[pl.BlockSpec((RB, 2), lambda i: (i, 0)),
                  pl.BlockSpec((RB, 1), lambda i: (i, 0)),
                  pl.BlockSpec((RB, 2), lambda i: (i, 0)),
                  pl.BlockSpec((11, HID), lambda i: (0, 0)),
                  pl.BlockSpec((11, HID), lambda i: (0, 0)),
                  pl.BlockSpec((2, HID), lambda i: (0, 0)),
                  pl.BlockSpec((1, HID), lambda i: (0, 0))],
        out_specs=(pl.BlockSpec((RB, ROW), lambda i: (i, 0)),
                   pl.BlockSpec((RB, ROW), lambda i: (i, 0))),
    )(x_p, nt_p, pos_p, w1a, w1b, w1p, be1r)



_MAGIC = np.int32(0x5F3759DF)

_GDN = lax.GatherDimensionNumbers(
    offset_dims=(), collapsed_slice_dims=(0,), start_index_map=(0,))


def _lane_bcast(v, idx):
    return lax.gather(v, idx[:, None], _GDN, (1,),
                      mode=lax.GatherScatterMode.PROMISE_IN_BOUNDS)


def _edge_body(s2d, r2d, ta, tb, we2, cons, out,
               sidx, ridx, buf_a, buf_b, mb0, mb1, we2v, cv, agg_sh,
               sa0, sa1, sb0, sb1, sm0, sm1):
    cid = lax.axis_index("c")
    sid = lax.axis_index("s")
    wid = sid * NC + cid
    sem_a = [sa0, sa1]
    sem_b = [sb0, sb1]
    sem_m = [sm0, sm1]
    mbufs = [mb0, mb1]

    pltpu.sync_copy(we2, we2v)
    pltpu.sync_copy(cons, cv)

    iot = lax.iota(jnp.int32, 16)
    swap = iot ^ 1
    zeros16 = (iot ^ iot).astype(jnp.float32)
    zero_i = iot & 0
    eight = zero_i + 8

    @pl.loop(0, G)
    def _z(i):
        mb0[i, :] = zeros16

    @pl.loop(0, RPT // G)
    def _zs(i):
        pltpu.sync_copy(mb0, agg_sh.at[pl.ds(sid * RPT + i * G, G)])

    plsc.subcore_barrier()

    w2 = cv[0, :]
    be2v = cv[1, :]
    we2_rows = [we2v[k, :] for k in range(HID)]

    def _issue(g, b):
        pltpu.async_copy(ta.at[sidx.at[g]], buf_a.at[b], sem_a[b])
        pltpu.async_copy(tb.at[ridx.at[g]], buf_b.at[b], sem_b[b])

    def _wait(b):
        pltpu.make_async_copy(ta.at[sidx.at[0]], buf_a.at[b], sem_a[b]).wait()
        pltpu.make_async_copy(tb.at[ridx.at[0]], buf_b.at[b], sem_b[b]).wait()

    def _compute(g, b, first):
        mb = mbufs[b]

        @pl.when(jnp.logical_not(first))
        def _():
            pltpu.make_async_copy(mb, agg_sh.at[ridx.at[0]], sem_m[b]).wait()

        @plsc.parallel_loop(0, G, unroll=2)
        def _edge(e):
            a0 = buf_a[b, e, pl.ds(0, 16)]
            a1 = buf_a[b, e, pl.ds(8, 16)]
            b0 = buf_b[b, e, pl.ds(0, 16)]
            b1 = buf_b[b, e, pl.ds(8, 16)]
            d = a1 - b1
            dd = d * d
            s = dd + _lane_bcast(dd, swap)
            nsq = _lane_bcast(s, eight)
            y = lax.bitcast_convert_type(
                _MAGIC - (lax.bitcast_convert_type(nsq, jnp.int32) >> 1),
                jnp.float32)
            h = 0.5 * nsq
            y = y * (1.5 - h * y * y)
            y = y * (1.5 - h * y * y)
            y = y * (1.5 - h * y * y)
            norm = nsq * y
            m1 = jnp.maximum(a0 + b0 + norm * w2, 0.0)
            acc = be2v
            for k in range(HID):
                acc = acc + _lane_bcast(m1, zero_i + k) * we2_rows[k]
            mb[e, :] = jnp.maximum(acc, 0.0)

        pltpu.async_copy(mb, agg_sh.at[ridx.at[g]], sem_m[b], add=True)

    @pl.loop(0, NCHUNK)
    def _chunk(c):
        gbase = wid * GROUPS_PT + c * GPC
        pltpu.sync_copy(s2d.at[pl.ds(gbase, GPC)], sidx)
        pltpu.sync_copy(r2d.at[pl.ds(gbase, GPC)], ridx)
        _issue(0, 0)

        @pl.loop(0, GPC // 2)
        def _pair(p):
            g0 = 2 * p
            _issue(g0 + 1, 1)
            _wait(0)
            _compute(g0, 0, (c + p) == 0)

            @pl.when(p < GPC // 2 - 1)
            def _():
                _issue(g0 + 2, 0)

            _wait(1)
            _compute(g0 + 1, 1, (c + p) == 0)

    for b in (0, 1):
        pltpu.make_async_copy(mbufs[b], agg_sh.at[ridx.at[0]], sem_m[b]).wait()

    plsc.subcore_barrier()

    @pl.loop(0, RPT // G)
    def _w(i):
        row = sid * RPT + i * G
        pltpu.sync_copy(agg_sh.at[pl.ds(row, G)], mb0)
        pltpu.sync_copy(mb0, out.at[cid, pl.ds(row, G)])


_edge_kernel = functools.partial(
    pl.kernel,
    out_type=jax.ShapeDtypeStruct((NC, AGG_ROWS, HID), jnp.float32),
    mesh=plsc.VectorSubcoreMesh(core_axis_name="c", subcore_axis_name="s"),
    compiler_params=pltpu.CompilerParams(use_tc_tiling_on_sc=False),
    scratch_types=[
        pltpu.VMEM((GPC, G), jnp.int32),
        pltpu.VMEM((GPC, G), jnp.int32),
        pltpu.VMEM((2, G, ROW), jnp.float32),
        pltpu.VMEM((2, G, ROW), jnp.float32),
        pltpu.VMEM((G, HID), jnp.float32),
        pltpu.VMEM((G, HID), jnp.float32),
        pltpu.VMEM((HID, HID), jnp.float32),
        pltpu.VMEM((2, HID), jnp.float32),
        pltpu.VMEM_SHARED((AGG_ROWS, HID), jnp.float32),
        pltpu.SemaphoreType.DMA,
        pltpu.SemaphoreType.DMA,
        pltpu.SemaphoreType.DMA,
        pltpu.SemaphoreType.DMA,
        pltpu.SemaphoreType.DMA,
        pltpu.SemaphoreType.DMA,
    ])(_edge_body)



def _node_body(x_ref, nt_ref, agg_a_ref, agg_b_ref, cx_ref,
               wn1a_ref, wn1b_ref, bn1_ref, wo_ref, bo_ref, out_ref):
    xv = x_ref[...]
    nt = nt_ref[...]
    oh = (nt == lax.broadcasted_iota(jnp.int32, (RB, NODE_TYPE_SIZE), 1))
    nf = jnp.concatenate([xv, oh.astype(jnp.float32)], axis=1)
    agg = agg_a_ref[...] + agg_b_ref[...]
    h = jnp.dot(nf, wn1a_ref[...], preferred_element_type=jnp.float32)
    h = h + jnp.dot(agg, wn1b_ref[...], preferred_element_type=jnp.float32)
    h = jnp.maximum(h + bn1_ref[...], 0.0)
    out_ref[...] = (jnp.dot(h, wo_ref[...], preferred_element_type=jnp.float32)
                    + bo_ref[...] + cx_ref[...])


def _node_mlp(x_p, nt_p, agg_a, agg_b, cx_p, wn1a, wn1b, bn1r, wo, bor):
    grid = (AGG_ROWS // RB,)
    return pl.pallas_call(
        _node_body,
        out_shape=jax.ShapeDtypeStruct((AGG_ROWS, 2), jnp.float32),
        grid=grid,
        in_specs=[pl.BlockSpec((RB, 2), lambda i: (i, 0)),
                  pl.BlockSpec((RB, 1), lambda i: (i, 0)),
                  pl.BlockSpec((RB, HID), lambda i: (i, 0)),
                  pl.BlockSpec((RB, HID), lambda i: (i, 0)),
                  pl.BlockSpec((RB, 2), lambda i: (i, 0)),
                  pl.BlockSpec((11, HID), lambda i: (0, 0)),
                  pl.BlockSpec((HID, HID), lambda i: (0, 0)),
                  pl.BlockSpec((1, HID), lambda i: (0, 0)),
                  pl.BlockSpec((HID, 2), lambda i: (0, 0)),
                  pl.BlockSpec((1, 2), lambda i: (0, 0))],
        out_specs=pl.BlockSpec((RB, 2), lambda i: (i, 0)),
    )(x_p, nt_p, agg_a, agg_b, cx_p, wn1a, wn1b, bn1r, wo, bor)



def kernel(x, node_type, edge_index, mesh_pos, xtime,
           We1, be1, We2, be2, Wn1, bn1, Wo, bo):
    f32 = jnp.float32
    npad = N_PAD - N
    x_p = jnp.concatenate([x, jnp.zeros((npad, 2), f32)])
    nt_p = jnp.concatenate([node_type, jnp.zeros((npad, 1), jnp.int32)])
    pos_p = jnp.concatenate([mesh_pos, jnp.zeros((npad, 2), f32)])
    cx_p = jnp.concatenate([xtime[..., -1], jnp.zeros((npad, 2), f32)])

    epad = E_PAD - E
    s2d = jnp.concatenate([edge_index[:, 0],
                           jnp.zeros((epad,), jnp.int32)]).reshape(E_PAD // G, G)
    r2d = jnp.concatenate([edge_index[:, 1],
                           jnp.full((epad,), N, jnp.int32)]).reshape(E_PAD // G, G)

    w1p = We1[0:2]
    w1a = We1[3:14]
    w1b = We1[14:25]
    cons = jnp.stack([We1[2], be2])

    ta, tb = _build_tables(x_p, nt_p, pos_p, w1a, w1b, w1p, be1.reshape(1, HID))
    agg = _edge_kernel(s2d, r2d, ta, tb, We2, cons)
    out = _node_mlp(x_p, nt_p, agg[0], agg[1], cx_p,
                    Wn1[:11], Wn1[11:], bn1.reshape(1, HID), Wo, bo.reshape(1, 2))
    return out[:N]

# --- scband reference (transcript-rebuilt; emitter-appended) ---
"""Pipeline reference for scband-base-npsgnnmodel-24945170055820 (READ-ONLY COPY).

The authoritative reference and input builder live on the scoring server;
editing this copy changes nothing except your own understanding.
"""

import jax, jax.numpy as jnp
import numpy as np

N = 100000
E = 6400000
DIM = 2
NF_IN = 2
NF_OUT = 2
NODE_TYPE_SIZE = 9
HID = 16
NODE_IN = NF_IN + NODE_TYPE_SIZE  # 11
EDGE_IN = DIM + 1                 # 3


def setup_inputs(seed: int = 0) -> dict:
    key = jax.random.key(seed)
    ks = jax.random.split(key, 16)
    x = jax.random.normal(ks[0], (N, NF_IN), dtype=jnp.float32)
    node_type = jax.random.randint(ks[1], (N, 1), 0, NODE_TYPE_SIZE, dtype=jnp.int32)
    edge_index = jax.random.randint(ks[2], (E, 2), 0, N, dtype=jnp.int32)
    mesh_pos = jax.random.uniform(ks[3], (N, DIM), dtype=jnp.float32)
    xtime = jax.random.normal(ks[4], (N, NF_IN, 2), dtype=jnp.float32)
    # learned_model params: one encode-process-decode message-passing step
    ein = EDGE_IN + 2 * NODE_IN  # 25
    We1 = jax.random.normal(ks[5], (ein, HID), dtype=jnp.float32) * (1.0 / np.sqrt(ein))
    be1 = jnp.zeros((HID,), dtype=jnp.float32)
    We2 = jax.random.normal(ks[6], (HID, HID), dtype=jnp.float32) * (1.0 / np.sqrt(HID))
    be2 = jnp.zeros((HID,), dtype=jnp.float32)
    Wn1 = jax.random.normal(ks[7], (NODE_IN + HID, HID), dtype=jnp.float32) * (1.0 / np.sqrt(NODE_IN + HID))
    bn1 = jnp.zeros((HID,), dtype=jnp.float32)
    Wo = jax.random.normal(ks[8], (HID, NF_OUT), dtype=jnp.float32) * (1.0 / np.sqrt(HID))
    bo = jnp.zeros((NF_OUT,), dtype=jnp.float32)
    return {
        'x': x, 'node_type': node_type, 'edge_index': edge_index,
        'mesh_pos': mesh_pos, 'xtime': xtime,
        'We1': We1, 'be1': be1, 'We2': We2, 'be2': be2,
        'Wn1': Wn1, 'bn1': bn1, 'Wo': Wo, 'bo': bo,
    }


def reference(x, node_type, edge_index, mesh_pos, xtime,
              We1, be1, We2, be2, Wn1, bn1, Wo, bo):
    # --- preprocess: build graph ---
    nt_oh = jax.nn.one_hot(node_type[:, 0], NODE_TYPE_SIZE, dtype=jnp.float32)
    node_features = jnp.concatenate([x, nt_oh], axis=-1)  # [N, 11]
    senders = edge_index[:, 0]
    receivers = edge_index[:, 1]
    rel = mesh_pos[senders] - mesh_pos[receivers]  # [E, 2]
    edge_features = jnp.concatenate(
        [rel, jnp.linalg.norm(rel, axis=-1, keepdims=True)], axis=-1)  # [E, 3]
    # --- learned model: one message-passing step ---
    ef = jnp.concatenate(
        [edge_features, node_features[senders], node_features[receivers]], axis=-1)  # [E, 25]
    m = jax.nn.relu(ef @ We1 + be1)
    m = jax.nn.relu(m @ We2 + be2)  # [E, HID]
    agg = jax.ops.segment_sum(m, receivers, num_segments=N)  # [N, HID]
    h = jax.nn.relu(jnp.concatenate([node_features, agg], axis=-1) @ Wn1 + bn1)
    per_node_out = h @ Wo + bo  # [N, NF_OUT]
    # --- update (output_by_method with method=None: Euler integrate) ---
    cur_x = xtime[..., -1]  # [N, NF_IN]
    return cur_x + per_node_out

if __name__ == "__main__":
    import jax
    _d = setup_inputs()
    print(jax.jit(kernel)(*tuple(_d.values())))

</pallas_src>

<mosaic_0001>
#map = affine_map<(d0, d1) -> (0, 0)>
#map1 = affine_map<(d0, d1) -> (0, 0, 0)>
module attributes {stable_mosaic.version = 14 : i64} {
  func.func @_edge_body(%arg0: i32, %arg1: i32, %arg2: memref<50176x128xi32, #tpu.memory_space<hbm>>, %arg3: memref<50176x128xi32, #tpu.memory_space<hbm>>, %arg4: memref<102400x24xf32, #tpu.memory_space<hbm>>, %arg5: memref<102400x24xf32, #tpu.memory_space<hbm>>, %arg6: memref<16x16xf32, #tpu.memory_space<hbm>>, %arg7: memref<2x16xf32, #tpu.memory_space<hbm>>, %arg8: memref<2x100352x16xf32, #tpu.memory_space<hbm>>, %arg9: memref<16x128xi32, #tpu.memory_space<vmem>>, %arg10: memref<16x128xi32, #tpu.memory_space<vmem>>, %arg11: memref<2x128x24xf32, #tpu.memory_space<vmem>>, %arg12: memref<2x128x24xf32, #tpu.memory_space<vmem>>, %arg13: memref<128x16xf32, #tpu.memory_space<vmem>>, %arg14: memref<128x16xf32, #tpu.memory_space<vmem>>, %arg15: memref<16x16xf32, #tpu.memory_space<vmem>>, %arg16: memref<2x16xf32, #tpu.memory_space<vmem>>, %arg17: memref<100352x16xf32, #tpu.memory_space<vmem_shared>>, %arg18: memref<!tpu.dma_semaphore, #tpu.memory_space<semaphore_mem>>, %arg19: memref<!tpu.dma_semaphore, #tpu.memory_space<semaphore_mem>>, %arg20: memref<!tpu.dma_semaphore, #tpu.memory_space<semaphore_mem>>, %arg21: memref<!tpu.dma_semaphore, #tpu.memory_space<semaphore_mem>>, %arg22: memref<!tpu.dma_semaphore, #tpu.memory_space<semaphore_mem>>, %arg23: memref<!tpu.dma_semaphore, #tpu.memory_space<semaphore_mem>>) attributes {dimension_semantics = [#tpu.dimension_semantics<core_parallel>, #tpu.dimension_semantics<subcore_parallel>], iteration_bounds = array<i64: 2, 16>, scalar_prefetch = 0 : i64, scratch_operands = 15 : i64, tpu.core_type = #tpu.core_type<sc_vector_subcore>, window_params = [{transform_indices = #map}, {transform_indices = #map}, {transform_indices = #map}, {transform_indices = #map}, {transform_indices = #map}, {transform_indices = #map}, {transform_indices = #map1}]} {
    %mul3A = arith.constant 2 : i32
    %mul3A_0 = arith.muli %arg1, %mul3A : i32
    %add3A = arith.addi %mul3A_0, %arg0 : i32
    "tpu.region"() ({
      %run_scoped3A = tpu.sem_alloc : memref<!tpu.dma_semaphore, #tpu.memory_space<semaphore_mem>>
      tpu.enqueue_dma source(%arg6 : memref<16x16xf32, #tpu.memory_space<hbm>>) target(%arg15 : memref<16x16xf32, #tpu.memory_space<vmem>>) target_semaphore(%run_scoped3A : memref<!tpu.dma_semaphore, #tpu.memory_space<semaphore_mem>>)
      tpu.wait_dma2 semaphore(%run_scoped3A : memref<!tpu.dma_semaphore, #tpu.memory_space<semaphore_mem>>) src(%arg6 : memref<16x16xf32, #tpu.memory_space<hbm>>) dst(%arg15 : memref<16x16xf32, #tpu.memory_space<vmem>>)
      tpu.yield
    }) : () -> ()
    "tpu.region"() ({
      %run_scoped3A = tpu.sem_alloc : memref<!tpu.dma_semaphore, #tpu.memory_space<semaphore_mem>>
      tpu.enqueue_dma source(%arg7 : memref<2x16xf32, #tpu.memory_space<hbm>>) target(%arg16 : memref<2x16xf32, #tpu.memory_space<vmem>>) target_semaphore(%run_scoped3A : memref<!tpu.dma_semaphore, #tpu.memory_space<semaphore_mem>>)
      tpu.wait_dma2 semaphore(%run_scoped3A : memref<!tpu.dma_semaphore, #tpu.memory_space<semaphore_mem>>) src(%arg7 : memref<2x16xf32, #tpu.memory_space<hbm>>) dst(%arg16 : memref<2x16xf32, #tpu.memory_space<vmem>>)
      tpu.yield
    }) : () -> ()
    %iota3A = tpu.iota {dimensions = array<i32: 0>} : vector<16xi32>
    %xor3A = arith.constant 1 : i32
    %xor3A_1 = vector.broadcast %xor3A : i32 to vector<16xi32>
    %xor3A_2 = arith.xori %iota3A, %xor3A_1 : vector<16xi32>
    %xor3A_3 = arith.xori %iota3A, %iota3A : vector<16xi32>
    %convert_element_type3A = arith.sitofp %xor3A_3 : vector<16xi32> to vector<16xf32>
    %and3A = arith.constant 0 : i32
    %and3A_4 = vector.broadcast %and3A : i32 to vector<16xi32>
    %and3A_5 = arith.andi %iota3A, %and3A_4 : vector<16xi32>
    %add3A_6 = arith.constant 8 : i32
    %add3A_7 = vector.broadcast %add3A_6 : i32 to vector<16xi32>
    %add3A_8 = arith.addi %and3A_5, %add3A_7 : vector<16xi32>
    %scan3A = arith.constant 0 : i32
    %scan3A_9 = arith.constant 128 : i32
    %scan3A_10 = arith.addi %scan3A, %scan3A_9 : i32
    %scan3A_11 = arith.constant 1 : i32
    scf.for %scan3A_131 = %scan3A to %scan3A_10 step %scan3A_11  : i32 {
      %mul3A_132 = arith.constant 1 : i32
      %mul3A_133 = arith.muli %scan3A_131, %mul3A_132 : i32
      %add3A_134 = arith.constant 0 : i32
      %add3A_135 = arith.addi %add3A_134, %mul3A_133 : i32
      %swap3A = arith.index_cast %add3A_135 : i32 to index
      %swap3A_136 = arith.constant 0 : index
      %swap3A_137 = tpu.vector_load %arg13[%swap3A, %swap3A_136] {strides = array<i32>} : memref<128x16xf32, #tpu.memory_space<vmem>>, vector<1x16xf32>,
      %swap3A_138 = vector.shape_cast %swap3A_137 : vector<1x16xf32> to vector<16xf32>
      %swap3A_139 = vector.shape_cast %convert_element_type3A : vector<16xf32> to vector<1x16xf32>
      tpu.vector_store %arg13[%swap3A, %swap3A_136], %swap3A_139 {strides = array<i32>} : memref<128x16xf32, #tpu.memory_space<vmem>>, vector<1x16xf32>,
    }
    %scan3A_12 = arith.constant 128 : i32
    %scan3A_13 = arith.constant 0 : i32
    %scan3A_14 = arith.constant 49 : i32
    %scan3A_15 = arith.addi %scan3A_13, %scan3A_14 : i32
    %scan3A_16 = arith.constant 1 : i32
    scf.for %scan3A_131 = %scan3A_13 to %scan3A_15 step %scan3A_16  : i32 {
      %mul3A_132 = arith.constant 1 : i32
      %mul3A_133 = arith.muli %scan3A_131, %mul3A_132 : i32
      %add3A_134 = arith.constant 0 : i32
      %add3A_135 = arith.addi %add3A_134, %mul3A_133 : i32
      %mul3A_136 = arith.constant 6272 : i32
      %mul3A_137 = arith.muli %arg1, %mul3A_136 : i32
      %mul3A_138 = arith.constant 128 : i32
      %mul3A_139 = arith.muli %add3A_135, %mul3A_138 : i32
      %add3A_140 = arith.addi %mul3A_137, %mul3A_139 : i32
      "tpu.region"() ({
        %run_scoped3A = tpu.sem_alloc : memref<!tpu.dma_semaphore, #tpu.memory_space<semaphore_mem>>
        %dma_start3A = arith.constant 0 : i32
        %dma_start3A_141 = tpu.memref_slice %arg17[%add3A_140, %dma_start3A] : memref<100352x16xf32, #tpu.memory_space<vmem_shared>> -> memref<128x16xf32, #tpu.memory_space<vmem_shared>>
        %dma_start3A_142 = arith.constant 0 : i32
        %dma_start3A_143 = tpu.memref_slice %arg17[%add3A_140, %dma_start3A_142] : memref<100352x16xf32, #tpu.memory_space<vmem_shared>> -> memref<128x16xf32, #tpu.memory_space<vmem_shared>>
        tpu.enqueue_dma source(%arg13 : memref<128x16xf32, #tpu.memory_space<vmem>>) target(%dma_start3A_143 : memref<128x16xf32, #tpu.memory_space<vmem_shared>>) target_semaphore(%run_scoped3A : memref<!tpu.dma_semaphore, #tpu.memory_space<semaphore_mem>>)
        %dma_wait3A_144 = arith.constant 0 : i32
        %dma_wait3A_145 = tpu.memref_slice %arg17[%add3A_140, %dma_wait3A_144] : memref<100352x16xf32, #tpu.memory_space<vmem_shared>> -> memref<128x16xf32, #tpu.memory_space<vmem_shared>>
        %dma_wait3A_146 = arith.constant 0 : i32
        %dma_wait3A_147 = tpu.memref_slice %arg17[%add3A_140, %dma_wait3A_146] : memref<100352x16xf32, #tpu.memory_space<vmem_shared>> -> memref<128x16xf32, #tpu.memory_space<vmem_shared>>
        tpu.wait_dma2 semaphore(%run_scoped3A : memref<!tpu.dma_semaphore, #tpu.memory_space<semaphore_mem>>) src(%arg13 : memref<128x16xf32, #tpu.memory_space<vmem>>) dst(%dma_wait3A_147 : memref<128x16xf32, #tpu.memory_space<vmem_shared>>)
        tpu.yield
      }) : () -> ()
    }
    %scan3A_17 = arith.constant 49 : i32
    %barrier3A = arith.constant 0 : index
    tpu.barrier barrier_id(%barrier3A)
    %get3A = arith.constant 0 : i32
    %get3A_18 = arith.index_cast %get3A : i32 to index
    %get3A_19 = arith.constant 0 : index
    %get3A_20 = tpu.vector_load %arg16[%get3A_18, %get3A_19] {strides = array<i32>} : memref<2x16xf32, #tpu.memory_space<vmem>>, vector<1x16xf32>,
    %get3A_21 = vector.shape_cast %get3A_20 : vector<1x16xf32> to vector<16xf32>
    %get3A_22 = arith.constant 1 : i32
    %get3A_23 = arith.index_cast %get3A_22 : i32 to index
    %get3A_24 = arith.constant 0 : index
    %get3A_25 = tpu.vector_load %arg16[%get3A_23, %get3A_24] {strides = array<i32>} : memref<2x16xf32, #tpu.memory_space<vmem>>, vector<1x16xf32>,
    %get3A_26 = vector.shape_cast %get3A_25 : vector<1x16xf32> to vector<16xf32>
    %get3A_27 = arith.constant 0 : i32
    %get3A_28 = arith.index_cast %get3A_27 : i32 to index
    %get3A_29 = arith.constant 0 : index
    %get3A_30 = tpu.vector_load %arg15[%get3A_28, %get3A_29] {strides = array<i32>} : memref<16x16xf32, #tpu.memory_space<vmem>>, vector<1x16xf32>,
    %get3A_31 = vector.shape_cast %get3A_30 : vector<1x16xf32> to vector<16xf32>
    %get3A_32 = arith.constant 1 : i32
    %get3A_33 = arith.index_cast %get3A_32 : i32 to index
    %get3A_34 = arith.constant 0 : index
    %get3A_35 = tpu.vector_load %arg15[%get3A_33, %get3A_34] {strides = array<i32>} : memref<16x16xf32, #tpu.memory_space<vmem>>, vector<1x16xf32>,
    %get3A_36 = vector.shape_cast %get3A_35 : vector<1x16xf32> to vector<16xf32>
    %get3A_37 = arith.constant 2 : i32
    %get3A_38 = arith.index_cast %get3A_37 : i32 to index
    %get3A_39 = arith.constant 0 : index
    %get3A_40 = tpu.vector_load %arg15[%get3A_38, %get3A_39] {strides = array<i32>} : memref<16x16xf32, #tpu.memory_space<vmem>>, vector<1x16xf32>,
    %get3A_41 = vector.shape_cast %get3A_40 : vector<1x16xf32> to vector<16xf32>
    %get3A_42 = arith.constant 3 : i32
    %get3A_43 = arith.index_cast %get3A_42 : i32 to index
    %get3A_44 = arith.constant 0 : index
    %get3A_45 = tpu.vector_load %arg15[%get3A_43, %get3A_44] {strides = array<i32>} : memref<16x16xf32, #tpu.memory_space<vmem>>, vector<1x16xf32>,
    %get3A_46 = vector.shape_cast %get3A_45 : vector<1x16xf32> to vector<16xf32>
    %get3A_47 = arith.constant 4 : i32
    %get3A_48 = arith.index_cast %get3A_47 : i32 to index
    %get3A_49 = arith.constant 0 : index
    %get3A_50 = tpu.vector_load %arg15[%get3A_48, %get3A_49] {strides = array<i32>} : memref<16x16xf32, #tpu.memory_space<vmem>>, vector<1x16xf32>,
    %get3A_51 = vector.shape_cast %get3A_50 : vector<1x16xf32> to vector<16xf32>
    %get3A_52 = arith.constant 5 : i32
    %get3A_53 = arith.index_cast %get3A_52 : i32 to index
    %get3A_54 = arith.constant 0 : index
    %get3A_55 = tpu.vector_load %arg15[%get3A_53, %get3A_54] {strides = array<i32>} : memref<16x16xf32, #tpu.memory_space<vmem>>, vector<1x16xf32>,
    %get3A_56 = vector.shape_cast %get3A_55 : vector<1x16xf32> to vector<16xf32>
    %get3A_57 = arith.constant 6 : i32
    %get3A_58 = arith.index_cast %get3A_57 : i32 to index
    %get3A_59 = arith.constant 0 : index
    %get3A_60 = tpu.vector_load %arg15[%get3A_58, %get3A_59] {strides = array<i32>} : memref<16x16xf32, #tpu.memory_space<vmem>>, vector<1x16xf32>,
    %get3A_61 = vector.shape_cast %get3A_60 : vector<1x16xf32> to vector<16xf32>
    %get3A_62 = arith.constant 7 : i32
    %get3A_63 = arith.index_cast %get3A_62 : i32 to index
    %get3A_64 = arith.constant 0 : index
    %get3A_65 = tpu.vector_load %arg15[%get3A_63, %get3A_64] {strides = array<i32>} : memref<16x16xf32, #tpu.memory_space<vmem>>, vector<1x16xf32>,
    %get3A_66 = vector.shape_cast %get3A_65 : vector<1x16xf32> to vector<16xf32>
    %get3A_67 = arith.constant 8 : i32
    %get3A_68 = arith.index_cast %get3A_67 : i32 to index
    %get3A_69 = arith.constant 0 : index
    %get3A_70 = tpu.vector_load %arg15[%get3A_68, %get3A_69] {strides = array<i32>} : memref<16x16xf32, #tpu.memory_space<vmem>>, vector<1x16xf32>,
    %get3A_71 = vector.shape_cast %get3A_70 : vector<1x16xf32> to vector<16xf32>
    %get3A_72 = arith.constant 9 : i32
    %get3A_73 = arith.index_cast %get3A_72 : i32 to index
    %get3A_74 = arith.constant 0 : index
    %get3A_75 = tpu.vector_load %arg15[%get3A_73, %get3A_74] {strides = array<i32>} : memref<16x16xf32, #tpu.memory_space<vmem>>, vector<1x16xf32>,
    %get3A_76 = vector.shape_cast %get3A_75 : vector<1x16xf32> to vector<16xf32>
    %get3A_77 = arith.constant 10 : i32
    %get3A_78 = arith.index_cast %get3A_77 : i32 to index
    %get3A_79 = arith.constant 0 : index
    %get3A_80 = tpu.vector_load %arg15[%get3A_78, %get3A_79] {strides = array<i32>} : memref<16x16xf32, #tpu.memory_space<vmem>>, vector<1x16xf32>,
    %get3A_81 = vector.shape_cast %get3A_80 : vector<1x16xf32> to vector<16xf32>
    %get3A_82 = arith.constant 11 : i32
    %get3A_83 = arith.index_cast %get3A_82 : i32 to index
    %get3A_84 = arith.constant 0 : index
    %get3A_85 = tpu.vector_load %arg15[%get3A_83, %get3A_84] {strides = array<i32>} : memref<16x16xf32, #tpu.memory_space<vmem>>, vector<1x16xf32>,
    %get3A_86 = vector.shape_cast %get3A_85 : vector<1x16xf32> to vector<16xf32>
    %get3A_87 = arith.constant 12 : i32
    %get3A_88 = arith.index_cast %get3A_87 : i32 to index
    %get3A_89 = arith.constant 0 : index
    %get3A_90 = tpu.vector_load %arg15[%get3A_88, %get3A_89] {strides = array<i32>} : memref<16x16xf32, #tpu.memory_space<vmem>>, vector<1x16xf32>,
    %get3A_91 = vector.shape_cast %get3A_90 : vector<1x16xf32> to vector<16xf32>
    %get3A_92 = arith.constant 13 : i32
    %get3A_93 = arith.index_cast %get3A_92 : i32 to index
    %get3A_94 = arith.constant 0 : index
    %get3A_95 = tpu.vector_load %arg15[%get3A_93, %get3A_94] {strides = array<i32>} : memref<16x16xf32, #tpu.memory_space<vmem>>, vector<1x16xf32>,
    %get3A_96 = vector.shape_cast %get3A_95 : vector<1x16xf32> to vector<16xf32>
    %get3A_97 = arith.constant 14 : i32
    %get3A_98 = arith.index_cast %get3A_97 : i32 to index
    %get3A_99 = arith.constant 0 : index
    %get3A_100 = tpu.vector_load %arg15[%get3A_98, %get3A_99] {strides = array<i32>} : memref<16x16xf32, #tpu.memory_space<vmem>>, vector<1x16xf32>,
    %get3A_101 = vector.shape_cast %get3A_100 : vector<1x16xf32> to vector<16xf32>
    %get3A_102 = arith.constant 15 : i32
    %get3A_103 = arith.index_cast %get3A_102 : i32 to index
    %get3A_104 = arith.constant 0 : index
    %get3A_105 = tpu.vector_load %arg15[%get3A_103, %get3A_104] {strides = array<i32>} : memref<16x16xf32, #tpu.memory_space<vmem>>, vector<1x16xf32>,
    %get3A_106 = vector.shape_cast %get3A_105 : vector<1x16xf32> to vector<16xf32>
    %scan3A_107 = arith.constant 0 : i32
    %scan3A_108 = arith.constant 98 : i32
    %scan3A_109 = arith.addi %scan3A_107, %scan3A_108 : i32
    %scan3A_110 = arith.constant 1 : i32
    scf.for %scan3A_131 = %scan3A_107 to %scan3A_109 step %scan3A_110  : i32 {
      %mul3A_132 = arith.constant 1 : i32
      %mul3A_133 = arith.muli %scan3A_131, %mul3A_132 : i32
      %add3A_134 = arith.constant 0 : i32
      %add3A_135 = arith.addi %add3A_134, %mul3A_133 : i32
      %mul3A_136 = arith.constant 1568 : i32
      %mul3A_137 = arith.muli %add3A, %mul3A_136 : i32
      %mul3A_138 = arith.constant 16 : i32
      %mul3A_139 = arith.muli %add3A_135, %mul3A_138 : i32
      %add3A_140 = arith.addi %mul3A_137, %mul3A_139 : i32
      "tpu.region"() ({
        %run_scoped3A = tpu.sem_alloc : memref<!tpu.dma_semaphore, #tpu.memory_space<semaphore_mem>>
        %dma_start3A_169 = arith.constant 0 : i32
        %dma_start3A_170 = tpu.memref_slice %arg2[%add3A_140, %dma_start3A_169] : memref<50176x128xi32, #tpu.memory_space<hbm>> -> memref<16x128xi32, #tpu.memory_space<hbm>>
        %dma_start3A_171 = arith.constant 0 : i32
        %dma_start3A_172 = tpu.memref_slice %arg2[%add3A_140, %dma_start3A_171] : memref<50176x128xi32, #tpu.memory_space<hbm>> -> memref<16x128xi32, #tpu.memory_space<hbm>>
        tpu.enqueue_dma source(%dma_start3A_172 : memref<16x128xi32, #tpu.memory_space<hbm>>) target(%arg9 : memref<16x128xi32, #tpu.memory_space<vmem>>) target_semaphore(%run_scoped3A : memref<!tpu.dma_semaphore, #tpu.memory_space<semaphore_mem>>)
        %dma_wait3A_173 = arith.constant 0 : i32
        %dma_wait3A_174 = tpu.memref_slice %arg2[%add3A_140, %dma_wait3A_173] : memref<50176x128xi32, #tpu.memory_space<hbm>> -> memref<16x128xi32, #tpu.memory_space<hbm>>
        %dma_wait3A_175 = arith.constant 0 : i32
        %dma_wait3A_176 = tpu.memref_slice %arg2[%add3A_140, %dma_wait3A_175] : memref<50176x128xi32, #tpu.memory_space<hbm>> -> memref<16x128xi32, #tpu.memory_space<hbm>>
        tpu.wait_dma2 semaphore(%run_scoped3A : memref<!tpu.dma_semaphore, #tpu.memory_space<semaphore_mem>>) src(%dma_wait3A_176 : memref<16x128xi32, #tpu.memory_space<hbm>>) dst(%arg9 : memref<16x128xi32, #tpu.memory_space<vmem>>)
        tpu.yield
      }) : () -> ()
      "tpu.region"() ({
        %run_scoped3A = tpu.sem_alloc : memref<!tpu.dma_semaphore, #tpu.memory_space<semaphore_mem>>
        %dma_start3A_169 = arith.constant 0 : i32
        %dma_start3A_170 = tpu.memref_slice %arg3[%add3A_140, %dma_start3A_169] : memref<50176x128xi32, #tpu.memory_space<hbm>> -> memref<16x128xi32, #tpu.memory_space<hbm>>
        %dma_start3A_171 = arith.constant 0 : i32
        %dma_start3A_172 = tpu.memref_slice %arg3[%add3A_140, %dma_start3A_171] : memref<50176x128xi32, #tpu.memory_space<hbm>> -> memref<16x128xi32, #tpu.memory_space<hbm>>
        tpu.enqueue_dma source(%dma_start3A_172 : memref<16x128xi32, #tpu.memory_space<hbm>>) target(%arg10 : memref<16x128xi32, #tpu.memory_space<vmem>>) target_semaphore(%run_scoped3A : memref<!tpu.dma_semaphore, #tpu.memory_space<semaphore_mem>>)
        %dma_wait3A_173 = arith.constant 0 : i32
        %dma_wait3A_174 = tpu.memref_slice %arg3[%add3A_140, %dma_wait3A_173] : memref<50176x128xi32, #tpu.memory_space<hbm>> -> memref<16x128xi32, #tpu.memory_space<hbm>>
        %dma_wait3A_175 = arith.constant 0 : i32
        %dma_wait3A_176 = tpu.memref_slice %arg3[%add3A_140, %dma_wait3A_175] : memref<50176x128xi32, #tpu.memory_space<hbm>> -> memref<16x128xi32, #tpu.memory_space<hbm>>
        tpu.wait_dma2 semaphore(%run_scoped3A : memref<!tpu.dma_semaphore, #tpu.memory_space<semaphore_mem>>) src(%dma_wait3A_176 : memref<16x128xi32, #tpu.memory_space<hbm>>) dst(%arg10 : memref<16x128xi32, #tpu.memory_space<vmem>>)
        tpu.yield
      }) : () -> ()
      %dma_start3A = arith.constant 0 : i32
      %dma_start3A_141 = arith.constant 0 : i32
      %dma_start3A_142 = arith.constant 0 : i32
      %dma_start3A_143 = arith.constant 0 : i32
      %dma_start3A_144 = tpu.memref_slice %arg11[%dma_start3A_141, %dma_start3A_142, %dma_start3A_143] : memref<2x128x24xf32, #tpu.memory_space<vmem>> -> memref<1x128x24xf32, #tpu.memory_space<vmem>>
      %dma_start3A_145 = tpu.memref_squeeze %dma_start3A_144 : memref<1x128x24xf32, #tpu.memory_space<vmem>> -> memref<128x24xf32, #tpu.memory_space<vmem>>
      %dma_start3A_146 = arith.constant 0 : i32
      %dma_start3A_147 = tpu.memref_slice %arg9[%dma_start3A, %dma_start3A_146] : memref<16x128xi32, #tpu.memory_space<vmem>> -> memref<1x128xi32, #tpu.memory_space<vmem>>
      %dma_start3A_148 = tpu.memref_squeeze %dma_start3A_147 : memref<1x128xi32, #tpu.memory_space<vmem>> -> memref<128xi32, #tpu.memory_space<vmem>>
      %dma_start3A_149 = arith.constant 0 : i32
      %dma_start3A_150 = arith.constant 0 : i32
      %dma_start3A_151 = tpu.memref_slice %arg4[%dma_start3A_149, %dma_start3A_150] : memref<102400x24xf32, #tpu.memory_space<hbm>> -> memref<102400x24xf32, #tpu.memory_space<hbm>>
      tpu.enqueue_indirect_dma source(%dma_start3A_151 : memref<102400x24xf32, #tpu.memory_space<hbm>>) target(%dma_start3A_145 : memref<128x24xf32, #tpu.memory_space<vmem>>) offsets(%dma_start3A_148 : memref<128xi32, #tpu.memory_space<vmem>>) semaphore(%arg18 : memref<!tpu.dma_semaphore, #tpu.memory_space<semaphore_mem>>)
      %dma_start3A_152 = arith.constant 0 : i32
      %dma_start3A_153 = arith.constant 0 : i32
      %dma_start3A_154 = arith.constant 0 : i32
      %dma_start3A_155 = arith.constant 0 : i32
      %dma_start3A_156 = tpu.memref_slice %arg12[%dma_start3A_153, %dma_start3A_154, %dma_start3A_155] : memref<2x128x24xf32, #tpu.memory_space<vmem>> -> memref<1x128x24xf32, #tpu.memory_space<vmem>>
      %dma_start3A_157 = tpu.memref_squeeze %dma_start3A_156 : memref<1x128x24xf32, #tpu.memory_space<vmem>> -> memref<128x24xf32, #tpu.memory_space<vmem>>
      %dma_start3A_158 = arith.constant 0 : i32
      %dma_start3A_159 = tpu.memref_slice %arg10[%dma_start3A_152, %dma_start3A_158] : memref<16x128xi32, #tpu.memory_space<vmem>> -> memref<1x128xi32, #tpu.memory_space<vmem>>
      %dma_start3A_160 = tpu.memref_squeeze %dma_start3A_159 : memref<1x128xi32, #tpu.memory_space<vmem>> -> memref<128xi32, #tpu.memory_space<vmem>>
      %dma_start3A_161 = arith.constant 0 : i32
      %dma_start3A_162 = arith.constant 0 : i32
      %dma_start3A_163 = tpu.memref_slice %arg5[%dma_start3A_161, %dma_start3A_162] : memref<102400x24xf32, #tpu.memory_space<hbm>> -> memref<102400x24xf32, #tpu.memory_space<hbm>>
      tpu.enqueue_indirect_dma source(%dma_start3A_163 : memref<102400x24xf32, #tpu.memory_space<hbm>>) target(%dma_start3A_157 : memref<128x24xf32, #tpu.memory_space<vmem>>) offsets(%dma_start3A_160 : memref<128xi32, #tpu.memory_space<vmem>>) semaphore(%arg20 : memref<!tpu.dma_semaphore, #tpu.memory_space<semaphore_mem>>)
      %scan3A_164 = arith.constant 0 : i32
      %scan3A_165 = arith.constant 8 : i32
      %scan3A_166 = arith.addi %scan3A_164, %scan3A_165 : i32
      %scan3A_167 = arith.constant 1 : i32
      scf.for %scan3A_169 = %scan3A_164 to %scan3A_166 step %scan3A_167  : i32 {
        %mul3A_170 = arith.constant 1 : i32
        %mul3A_171 = arith.muli %scan3A_169, %mul3A_170 : i32
        %add3A_172 = arith.constant 0 : i32
        %add3A_173 = arith.addi %add3A_172, %mul3A_171 : i32
        %mul3A_174 = arith.constant 2 : i32
        %mul3A_175 = arith.muli %mul3A_174, %add3A_173 : i32
        %add3A_176 = arith.constant 1 : i32
        %add3A_177 = arith.addi %mul3A_175, %add3A_176 : i32
        %dma_start3A_178 = arith.constant 1 : i32
        %dma_start3A_179 = arith.constant 0 : i32
        %dma_start3A_180 = arith.constant 0 : i32
        %dma_start3A_181 = tpu.memref_slice %arg11[%dma_start3A_178, %dma_start3A_179, %dma_start3A_180] : memref<2x128x24xf32, #tpu.memory_space<vmem>> -> memref<1x128x24xf32, #tpu.memory_space<vmem>>
        %dma_start3A_182 = tpu.memref_squeeze %dma_start3A_181 : memref<1x128x24xf32, #tpu.memory_space<vmem>> -> memref<128x24xf32, #tpu.memory_space<vmem>>
        %dma_start3A_183 = arith.constant 0 : i32
        %dma_start3A_184 = tpu.memref_slice %arg9[%add3A_177, %dma_start3A_183] : memref<16x128xi32, #tpu.memory_space<vmem>> -> memref<1x128xi32, #tpu.memory_space<vmem>>
        %dma_start3A_185 = tpu.memref_squeeze %dma_start3A_184 : memref<1x128xi32, #tpu.memory_space<vmem>> -> memref<128xi32, #tpu.memory_space<vmem>>
        %dma_start3A_186 = arith.constant 0 : i32
        %dma_start3A_187 = arith.constant 0 : i32
        %dma_start3A_188 = tpu.memref_slice %arg4[%dma_start3A_186, %dma_start3A_187] : memref<102400x24xf32, #tpu.memory_space<hbm>> -> memref<102400x24xf32, #tpu.memory_space<hbm>>
        tpu.enqueue_indirect_dma source(%dma_start3A_188 : memref<102400x24xf32, #tpu.memory_space<hbm>>) target(%dma_start3A_182 : memref<128x24xf32, #tpu.memory_space<vmem>>) offsets(%dma_start3A_185 : memref<128xi32, #tpu.memory_space<vmem>>) semaphore(%arg19 : memref<!tpu.dma_semaphore, #tpu.memory_space<semaphore_mem>>)
        %dma_start3A_189 = arith.constant 1 : i32
        %dma_start3A_190 = arith.constant 0 : i32
        %dma_start3A_191 = arith.constant 0 : i32
        %dma_start3A_192 = tpu.memref_slice %arg12[%dma_start3A_189, %dma_start3A_190, %dma_start3A_191] : memref<2x128x24xf32, #tpu.memory_space<vmem>> -> memref<1x128x24xf32, #tpu.memory_space<vmem>>
        %dma_start3A_193 = tpu.memref_squeeze %dma_start3A_192 : memref<1x128x24xf32, #tpu.memory_space<vmem>> -> memref<128x24xf32, #tpu.memory_space<vmem>>
        %dma_start3A_194 = arith.constant 0 : i32
        %dma_start3A_195 = tpu.memref_slice %arg10[%add3A_177, %dma_start3A_194] : memref<16x128xi32, #tpu.memory_space<vmem>> -> memref<1x128xi32, #tpu.memory_space<vmem>>
        %dma_start3A_196 = tpu.memref_squeeze %dma_start3A_195 : memref<1x128xi32, #tpu.memory_space<vmem>> -> memref<128xi32, #tpu.memory_space<vmem>>
        %dma_start3A_197 = arith.constant 0 : i32
        %dma_start3A_198 = arith.constant 0 : i32
        %dma_start3A_199 = tpu.memref_slice %arg5[%dma_start3A_197, %dma_start3A_198] : memref<102400x24xf32, #tpu.memory_space<hbm>> -> memref<102400x24xf32, #tpu.memory_space<hbm>>
        tpu.enqueue_indirect_dma source(%dma_start3A_199 : memref<102400x24xf32, #tpu.memory_space<hbm>>) target(%dma_start3A_193 : memref<128x24xf32, #tpu.memory_space<vmem>>) offsets(%dma_start3A_196 : memref<128xi32, #tpu.memory_space<vmem>>) semaphore(%arg21 : memref<!tpu.dma_semaphore, #tpu.memory_space<semaphore_mem>>)
        %dma_wait3A_200 = arith.constant 0 : i32
        %dma_wait3A_201 = arith.constant 0 : i32
        %dma_wait3A_202 = arith.constant 0 : i32
        %dma_wait3A_203 = arith.constant 0 : i32
        %dma_wait3A_204 = tpu.memref_slice %arg11[%dma_wait3A_201, %dma_wait3A_202, %dma_wait3A_203] : memref<2x128x24xf32, #tpu.memory_space<vmem>> -> memref<1x128x24xf32, #tpu.memory_space<vmem>>
        %dma_wait3A_205 = tpu.memref_squeeze %dma_wait3A_204 : memref<1x128x24xf32, #tpu.memory_space<vmem>> -> memref<128x24xf32, #tpu.memory_space<vmem>>
        %dma_wait3A_206 = arith.constant 0 : i32
        %dma_wait3A_207 = tpu.memref_slice %arg9[%dma_wait3A_200, %dma_wait3A_206] : memref<16x128xi32, #tpu.memory_space<vmem>> -> memref<1x128xi32, #tpu.memory_space<vmem>>
        %dma_wait3A_208 = tpu.memref_squeeze %dma_wait3A_207 : memref<1x128xi32, #tpu.memory_space<vmem>> -> memref<128xi32, #tpu.memory_space<vmem>>
        %dma_wait3A_209 = arith.constant 0 : i32
        %dma_wait3A_210 = arith.constant 0 : i32
        %dma_wait3A_211 = tpu.memref_slice %arg4[%dma_wait3A_209, %dma_wait3A_210] : memref<102400x24xf32, #tpu.memory_space<hbm>> -> memref<102400x24xf32, #tpu.memory_space<hbm>>
        tpu.wait_indirect_dma semaphore(%arg18 : memref<!tpu.dma_semaphore, #tpu.memory_space<semaphore_mem>>) src(%dma_wait3A_211 : memref<102400x24xf32, #tpu.memory_space<hbm>>) dst(%dma_wait3A_205 : memref<128x24xf32, #tpu.memory_space<vmem>>)
        %dma_wait3A_212 = arith.constant 0 : i32
        %dma_wait3A_213 = arith.constant 0 : i32
        %dma_wait3A_214 = arith.constant 0 : i32
        %dma_wait3A_215 = arith.constant 0 : i32
        %dma_wait3A_216 = tpu.memref_slice %arg12[%dma_wait3A_213, %dma_wait3A_214, %dma_wait3A_215] : memref<2x128x24xf32, #tpu.memory_space<vmem>> -> memref<1x128x24xf32, #tpu.memory_space<vmem>>
        %dma_wait3A_217 = tpu.memref_squeeze %dma_wait3A_216 : memref<1x128x24xf32, #tpu.memory_space<vmem>> -> memref<128x24xf32, #tpu.memory_space<vmem>>
        %dma_wait3A_218 = arith.constant 0 : i32
        %dma_wait3A_219 = tpu.memref_slice %arg10[%dma_wait3A_212, %dma_wait3A_218] : memref<16x128xi32, #tpu.memory_space<vmem>> -> memref<1x128xi32, #tpu.memory_space<vmem>>
        %dma_wait3A_220 = tpu.memref_squeeze %dma_wait3A_219 : memref<1x128xi32, #tpu.memory_space<vmem>> -> memref<128xi32, #tpu.memory_space<vmem>>
        %dma_wait3A_221 = arith.constant 0 : i32
        %dma_wait3A_222 = arith.constant 0 : i32
        %dma_wait3A_223 = tpu.memref_slice %arg5[%dma_wait3A_221, %dma_wait3A_222] : memref<102400x24xf32, #tpu.memory_space<hbm>> -> memref<102400x24xf32, #tpu.memory_space<hbm>>
        tpu.wait_indirect_dma semaphore(%arg20 : memref<!tpu.dma_semaphore, #tpu.memory_space<semaphore_mem>>) src(%dma_wait3A_223 : memref<102400x24xf32, #tpu.memory_space<hbm>>) dst(%dma_wait3A_217 : memref<128x24xf32, #tpu.memory_space<vmem>>)
        %add3A_224 = arith.addi %add3A_135, %add3A_173 : i32
        %eq3A = arith.constant 0 : i32
        %eq3A_225 = arith.cmpi eq, %add3A_224, %eq3A : i32
        %not3A = arith.constant true
        %not3A_226 = arith.xori %eq3A_225, %not3A : i1
        %convert_element_type3A_227 = arith.extui %not3A_226 : i1 to i32
        %cond3A = arith.constant 0 : i32
        %cond3A_228 = arith.cmpi ne, %convert_element_type3A_227, %cond3A : i32
        scf.if %cond3A_228 {
          %dma_wait3A_284 = arith.constant 0 : i32
          %dma_wait3A_285 = arith.constant 0 : i32
          %dma_wait3A_286 = tpu.memref_slice %arg10[%dma_wait3A_284, %dma_wait3A_285] : memref<16x128xi32, #tpu.memory_space<vmem>> -> memref<1x128xi32, #tpu.memory_space<vmem>>
          %dma_wait3A_287 = tpu.memref_squeeze %dma_wait3A_286 : memref<1x128xi32, #tpu.memory_space<vmem>> -> memref<128xi32, #tpu.memory_space<vmem>>
          %dma_wait3A_288 = arith.constant 0 : i32
          %dma_wait3A_289 = arith.constant 0 : i32
          %dma_wait3A_290 = tpu.memref_slice %arg17[%dma_wait3A_288, %dma_wait3A_289] : memref<100352x16xf32, #tpu.memory_space<vmem_shared>> -> memref<100352x16xf32, #tpu.memory_space<vmem_shared>>
          tpu.wait_indirect_dma semaphore(%arg22 : memref<!tpu.dma_semaphore, #tpu.memory_space<semaphore_mem>>) src(%arg13 : memref<128x16xf32, #tpu.memory_space<vmem>>) dst(%dma_wait3A_290 : memref<100352x16xf32, #tpu.memory_space<vmem_shared>>)
        } else {
        }
        %parallel_loop3A = arith.constant 0 : i32
        %parallel_loop3A_229 = arith.constant 128 : i32
        %parallel_loop3A_230 = arith.constant 1 : i32
        scf.for %parallel_loop3A_284 = %parallel_loop3A to %parallel_loop3A_229 step %parallel_loop3A_230  : i32 {
          %parallel_loop3A_285 = arith.constant 0 : i32
          %parallel_loop3A_286 = arith.index_cast %parallel_loop3A_285 : i32 to index
          %parallel_loop3A_287 = arith.index_cast %parallel_loop3A_284 : i32 to index
          %parallel_loop3A_288 = arith.constant 0 : index
          %parallel_loop3A_289 = tpu.vector_load %arg11[%parallel_loop3A_286, %parallel_loop3A_287, %parallel_loop3A_288] {strides = array<i32>} : memref<2x128x24xf32, #tpu.memory_space<vmem>>, vector<1x1x16xf32>,
          %parallel_loop3A_290 = vector.shape_cast %parallel_loop3A_289 : vector<1x1x16xf32> to vector<16xf32>
          %parallel_loop3A_291 = arith.constant 0 : i32
          %parallel_loop3A_292 = arith.index_cast %parallel_loop3A_291 : i32 to index
          %parallel_loop3A_293 = arith.index_cast %parallel_loop3A_284 : i32 to index
          %parallel_loop3A_294 = arith.constant 8 : index
          %parallel_loop3A_295 = tpu.vector_load %arg11[%parallel_loop3A_292, %parallel_loop3A_293, %parallel_loop3A_294] {strides = array<i32>} : memref<2x128x24xf32, #tpu.memory_space<vmem>>, vector<1x1x16xf32>,
          %parallel_loop3A_296 = vector.shape_cast %parallel_loop3A_295 : vector<1x1x16xf32> to vector<16xf32>
          %parallel_loop3A_297 = arith.constant 0 : i32
          %parallel_loop3A_298 = arith.index_cast %parallel_loop3A_297 : i32 to index
          %parallel_loop3A_299 = arith.index_cast %parallel_loop3A_284 : i32 to index
          %parallel_loop3A_300 = arith.constant 0 : index
          %parallel_loop3A_301 = tpu.vector_load %arg12[%parallel_loop3A_298, %parallel_loop3A_299, %parallel_loop3A_300] {strides = array<i32>} : memref<2x128x24xf32, #tpu.memory_space<vmem>>, vector<1x1x16xf32>,
          %parallel_loop3A_302 = vector.shape_cast %parallel_loop3A_301 : vector<1x1x16xf32> to vector<16xf32>
          %parallel_loop3A_303 = arith.constant 0 : i32
          %parallel_loop3A_304 = arith.index_cast %parallel_loop3A_303 : i32 to index
          %parallel_loop3A_305 = arith.index_cast %parallel_loop3A_284 : i32 to index
          %parallel_loop3A_306 = arith.constant 8 : index
          %parallel_loop3A_307 = tpu.vector_load %arg12[%parallel_loop3A_304, %parallel_loop3A_305, %parallel_loop3A_306] {strides = array<i32>} : memref<2x128x24xf32, #tpu.memory_space<vmem>>, vector<1x1x16xf32>,
          %parallel_loop3A_308 = vector.shape_cast %parallel_loop3A_307 : vector<1x1x16xf32> to vector<16xf32>
          %parallel_loop3A_309 = arith.subf %parallel_loop3A_296, %parallel_loop3A_308 : vector<16xf32>
          %parallel_loop3A_310 = arith.mulf %parallel_loop3A_309, %parallel_loop3A_309 : vector<16xf32>
          %parallel_loop3A_311 = vector.shape_cast %xor3A_2 : vector<16xi32> to vector<16x1xi32>
          %parallel_loop3A_312 = vector.shape_cast %parallel_loop3A_311 : vector<16x1xi32> to vector<16xi32>
          %parallel_loop3A_313 = tpu.dynamic_gather %parallel_loop3A_310[%parallel_loop3A_312] in [0] : vector<16xf32>, vector<16xi32> -> vector<16xf32>
          %parallel_loop3A_314 = arith.addf %parallel_loop3A_310, %parallel_loop3A_313 : vector<16xf32>
          %parallel_loop3A_315 = vector.shape_cast %add3A_8 : vector<16xi32> to vector<16x1xi32>
          %parallel_loop3A_316 = vector.shape_cast %parallel_loop3A_315 : vector<16x1xi32> to vector<16xi32>
          %parallel_loop3A_317 = tpu.dynamic_gather %parallel_loop3A_314[%parallel_loop3A_316] in [0] : vector<16xf32>, vector<16xi32> -> vector<16xf32>
          %parallel_loop3A_318 = tpu.bitcast %parallel_loop3A_317 : vector<16xf32> -> vector<16xi32>
          %parallel_loop3A_319 = arith.constant 1 : i32
          %parallel_loop3A_320 = vector.broadcast %parallel_loop3A_319 : i32 to vector<16xi32>
          %parallel_loop3A_321 = arith.shrsi %parallel_loop3A_318, %parallel_loop3A_320 : vector<16xi32>
          %parallel_loop3A_322 = arith.constant 1597463007 : i32
          %parallel_loop3A_323 = vector.broadcast %parallel_loop3A_322 : i32 to vector<16xi32>
          %parallel_loop3A_324 = arith.subi %parallel_loop3A_323, %parallel_loop3A_321 : vector<16xi32>
          %parallel_loop3A_325 = tpu.bitcast %parallel_loop3A_324 : vector<16xi32> -> vector<16xf32>
          %parallel_loop3A_326 = arith.constant 5.000000e-01 : f32
          %parallel_loop3A_327 = vector.broadcast %parallel_loop3A_326 : f32 to vector<16xf32>
          %parallel_loop3A_328 = arith.mulf %parallel_loop3A_327, %parallel_loop3A_317 : vector<16xf32>
          %parallel_loop3A_329 = arith.mulf %parallel_loop3A_328, %parallel_loop3A_325 : vector<16xf32>
          %parallel_loop3A_330 = arith.mulf %parallel_loop3A_329, %parallel_loop3A_325 : vector<16xf32>
          %parallel_loop3A_331 = arith.constant 1.500000e+00 : f32
          %parallel_loop3A_332 = vector.broadcast %parallel_loop3A_331 : f32 to vector<16xf32>
          %parallel_loop3A_333 = arith.subf %parallel_loop3A_332, %parallel_loop3A_330 : vector<16xf32>
          %parallel_loop3A_334 = arith.mulf %parallel_loop3A_325, %parallel_loop3A_333 : vector<16xf32>
          %parallel_loop3A_335 = arith.mulf %parallel_loop3A_328, %parallel_loop3A_334 : vector<16xf32>
          %parallel_loop3A_336 = arith.mulf %parallel_loop3A_335, %parallel_loop3A_334 : vector<16xf32>
          %parallel_loop3A_337 = arith.constant 1.500000e+00 : f32
          %parallel_loop3A_338 = vector.broadcast %parallel_loop3A_337 : f32 to vector<16xf32>
          %parallel_loop3A_339 = arith.subf %parallel_loop3A_338, %parallel_loop3A_336 : vector<16xf32>
          %parallel_loop3A_340 = arith.mulf %parallel_loop3A_334, %parallel_loop3A_339 : vector<16xf32>
          %parallel_loop3A_341 = arith.mulf %parallel_loop3A_328, %parallel_loop3A_340 : vector<16xf32>
          %parallel_loop3A_342 = arith.mulf %parallel_loop3A_341, %parallel_loop3A_340 : vector<16xf32>
          %parallel_loop3A_343 = arith.constant 1.500000e+00 : f32
          %parallel_loop3A_344 = vector.broadcast %parallel_loop3A_343 : f32 to vector<16xf32>
          %parallel_loop3A_345 = arith.subf %parallel_loop3A_344, %parallel_loop3A_342 : vector<16xf32>
          %parallel_loop3A_346 = arith.mulf %parallel_loop3A_340, %parallel_loop3A_345 : vector<16xf32>
          %parallel_loop3A_347 = arith.mulf %parallel_loop3A_317, %parallel_loop3A_346 : vector<16xf32>
          %parallel_loop3A_348 = arith.addf %parallel_loop3A_290, %parallel_loop3A_302 : vector<16xf32>
          %parallel_loop3A_349 = arith.mulf %parallel_loop3A_347, %get3A_21 : vector<16xf32>
          %parallel_loop3A_350 = arith.addf %parallel_loop3A_348, %parallel_loop3A_349 : vector<16xf32>
          %parallel_loop3A_351 = arith.constant 0.000000e+00 : f32
          %parallel_loop3A_352 = vector.broadcast %parallel_loop3A_351 : f32 to vector<16xf32>
          %parallel_loop3A_353 = arith.maximumf %parallel_loop3A_350, %parallel_loop3A_352 : vector<16xf32>
          %parallel_loop3A_354 = arith.constant 0 : i32
          %parallel_loop3A_355 = vector.broadcast %parallel_loop3A_354 : i32 to vector<16xi32>
          %parallel_loop3A_356 = arith.addi %and3A_5, %parallel_loop3A_355 : vector<16xi32>
          %parallel_loop3A_357 = vector.shape_cast %parallel_loop3A_356 : vector<16xi32> to vector<16x1xi32>
          %parallel_loop3A_358 = vector.shape_cast %parallel_loop3A_357 : vector<16x1xi32> to vector<16xi32>
          %parallel_loop3A_359 = tpu.dynamic_gather %parallel_loop3A_353[%parallel_loop3A_358] in [0] : vector<16xf32>, vector<16xi32> -> vector<16xf32>
          %parallel_loop3A_360 = arith.mulf %parallel_loop3A_359, %get3A_31 : vector<16xf32>
          %parallel_loop3A_361 = arith.addf %get3A_26, %parallel_loop3A_360 : vector<16xf32>
          %parallel_loop3A_362 = arith.constant 1 : i32
          %parallel_loop3A_363 = vector.broadcast %parallel_loop3A_362 : i32 to vector<16xi32>
          %parallel_loop3A_364 = arith.addi %and3A_5, %parallel_loop3A_363 : vector<16xi32>
          %parallel_loop3A_365 = vector.shape_cast %parallel_loop3A_364 : vector<16xi32> to vector<16x1xi32>
          %parallel_loop3A_366 = vector.shape_cast %parallel_loop3A_365 : vector<16x1xi32> to vector<16xi32>
          %parallel_loop3A_367 = tpu.dynamic_gather %parallel_loop3A_353[%parallel_loop3A_366] in [0] : vector<16xf32>, vector<16xi32> -> vector<16xf32>
          %parallel_loop3A_368 = arith.mulf %parallel_loop3A_367, %get3A_36 : vector<16xf32>
          %parallel_loop3A_369 = arith.addf %parallel_loop3A_361, %parallel_loop3A_368 : vector<16xf32>
          %parallel_loop3A_370 = arith.constant 2 : i32
          %parallel_loop3A_371 = vector.broadcast %parallel_loop3A_370 : i32 to vector<16xi32>
          %parallel_loop3A_372 = arith.addi %and3A_5, %parallel_loop3A_371 : vector<16xi32>
          %parallel_loop3A_373 = vector.shape_cast %parallel_loop3A_372 : vector<16xi32> to vector<16x1xi32>
          %parallel_loop3A_374 = vector.shape_cast %parallel_loop3A_373 : vector<16x1xi32> to vector<16xi32>
          %parallel_loop3A_375 = tpu.dynamic_gather %parallel_loop3A_353[%parallel_loop3A_374] in [0] : vector<16xf32>, vector<16xi32> -> vector<16xf32>
          %parallel_loop3A_376 = arith.mulf %parallel_loop3A_375, %get3A_41 : vector<16xf32>
          %parallel_loop3A_377 = arith.addf %parallel_loop3A_369, %parallel_loop3A_376 : vector<16xf32>
          %parallel_loop3A_378 = arith.constant 3 : i32
          %parallel_loop3A_379 = vector.broadcast %parallel_loop3A_378 : i32 to vector<16xi32>
          %parallel_loop3A_380 = arith.addi %and3A_5, %parallel_loop3A_379 : vector<16xi32>
          %parallel_loop3A_381 = vector.shape_cast %parallel_loop3A_380 : vector<16xi32> to vector<16x1xi32>
          %parallel_loop3A_382 = vector.shape_cast %parallel_loop3A_381 : vector<16x1xi32> to vector<16xi32>
          %parallel_loop3A_383 = tpu.dynamic_gather %parallel_loop3A_353[%parallel_loop3A_382] in [0] : vector<16xf32>, vector<16xi32> -> vector<16xf32>
          %parallel_loop3A_384 = arith.mulf %parallel_loop3A_383, %get3A_46 : vector<16xf32>
          %parallel_loop3A_385 = arith.addf %parallel_loop3A_377, %parallel_loop3A_384 : vector<16xf32>
          %parallel_loop3A_386 = arith.constant 4 : i32
          %parallel_loop3A_387 = vector.broadcast %parallel_loop3A_386 : i32 to vector<16xi32>
          %parallel_loop3A_388 = arith.addi %and3A_5, %parallel_loop3A_387 : vector<16xi32>
          %parallel_loop3A_389 = vector.shape_cast %parallel_loop3A_388 : vector<16xi32> to vector<16x1xi32>
          %parallel_loop3A_390 = vector.shape_cast %parallel_loop3A_389 : vector<16x1xi32> to vector<16xi32>
          %parallel_loop3A_391 = tpu.dynamic_gather %parallel_loop3A_353[%parallel_loop3A_390] in [0] : vector<16xf32>, vector<16xi32> -> vector<16xf32>
          %parallel_loop3A_392 = arith.mulf %parallel_loop3A_391, %get3A_51 : vector<16xf32>
          %parallel_loop3A_393 = arith.addf %parallel_loop3A_385, %parallel_loop3A_392 : vector<16xf32>
          %parallel_loop3A_394 = arith.constant 5 : i32
          %parallel_loop3A_395 = vector.broadcast %parallel_loop3A_394 : i32 to vector<16xi32>
          %parallel_loop3A_396 = arith.addi %and3A_5, %parallel_loop3A_395 : vector<16xi32>
          %parallel_loop3A_397 = vector.shape_cast %parallel_loop3A_396 : vector<16xi32> to vector<16x1xi32>
          %parallel_loop3A_398 = vector.shape_cast %parallel_loop3A_397 : vector<16x1xi32> to vector<16xi32>
          %parallel_loop3A_399 = tpu.dynamic_gather %parallel_loop3A_353[%parallel_loop3A_398] in [0] : vector<16xf32>, vector<16xi32> -> vector<16xf32>
          %parallel_loop3A_400 = arith.mulf %parallel_loop3A_399, %get3A_56 : vector<16xf32>
          %parallel_loop3A_401 = arith.addf %parallel_loop3A_393, %parallel_loop3A_400 : vector<16xf32>
          %parallel_loop3A_402 = arith.constant 6 : i32
          %parallel_loop3A_403 = vector.broadcast %parallel_loop3A_402 : i32 to vector<16xi32>
          %parallel_loop3A_404 = arith.addi %and3A_5, %parallel_loop3A_403 : vector<16xi32>
          %parallel_loop3A_405 = vector.shape_cast %parallel_loop3A_404 : vector<16xi32> to vector<16x1xi32>
          %parallel_loop3A_406 = vector.shape_cast %parallel_loop3A_405 : vector<16x1xi32> to vector<16xi32>
          %parallel_loop3A_407 = tpu.dynamic_gather %parallel_loop3A_353[%parallel_loop3A_406] in [0] : vector<16xf32>, vector<16xi32> -> vector<16xf32>
          %parallel_loop3A_408 = arith.mulf %parallel_loop3A_407, %get3A_61 : vector<16xf32>
          %parallel_loop3A_409 = arith.addf %parallel_loop3A_401, %parallel_loop3A_408 : vector<16xf32>
          %parallel_loop3A_410 = arith.constant 7 : i32
          %parallel_loop3A_411 = vector.broadcast %parallel_loop3A_410 : i32 to vector<16xi32>
          %parallel_loop3A_412 = arith.addi %and3A_5, %parallel_loop3A_411 : vector<16xi32>
          %parallel_loop3A_413 = vector.shape_cast %parallel_loop3A_412 : vector<16xi32> to vector<16x1xi32>
          %parallel_loop3A_414 = vector.shape_cast %parallel_loop3A_413 : vector<16x1xi32> to vector<16xi32>
          %parallel_loop3A_415 = tpu.dynamic_gather %parallel_loop3A_353[%parallel_loop3A_414] in [0] : vector<16xf32>, vector<16xi32> -> vector<16xf32>
          %parallel_loop3A_416 = arith.mulf %parallel_loop3A_415, %get3A_66 : vector<16xf32>
          %parallel_loop3A_417 = arith.addf %parallel_loop3A_409, %parallel_loop3A_416 : vector<16xf32>
          %parallel_loop3A_418 = arith.constant 8 : i32
          %parallel_loop3A_419 = vector.broadcast %parallel_loop3A_418 : i32 to vector<16xi32>
          %parallel_loop3A_420 = arith.addi %and3A_5, %parallel_loop3A_419 : vector<16xi32>
          %parallel_loop3A_421 = vector.shape_cast %parallel_loop3A_420 : vector<16xi32> to vector<16x1xi32>
          %parallel_loop3A_422 = vector.shape_cast %parallel_loop3A_421 : vector<16x1xi32> to vector<16xi32>
          %parallel_loop3A_423 = tpu.dynamic_gather %parallel_loop3A_353[%parallel_loop3A_422] in [0] : vector<16xf32>, vector<16xi32> -> vector<16xf32>
          %parallel_loop3A_424 = arith.mulf %parallel_loop3A_423, %get3A_71 : vector<16xf32>
          %parallel_loop3A_425 = arith.addf %parallel_loop3A_417, %parallel_loop3A_424 : vector<16xf32>
          %parallel_loop3A_426 = arith.constant 9 : i32
          %parallel_loop3A_427 = vector.broadcast %parallel_loop3A_426 : i32 to vector<16xi32>
          %parallel_loop3A_428 = arith.addi %and3A_5, %parallel_loop3A_427 : vector<16xi32>
          %parallel_loop3A_429 = vector.shape_cast %parallel_loop3A_428 : vector<16xi32> to vector<16x1xi32>
          %parallel_loop3A_430 = vector.shape_cast %parallel_loop3A_429 : vector<16x1xi32> to vector<16xi32>
          %parallel_loop3A_431 = tpu.dynamic_gather %parallel_loop3A_353[%parallel_loop3A_430] in [0] : vector<16xf32>, vector<16xi32> -> vector<16xf32>
          %parallel_loop3A_432 = arith.mulf %parallel_loop3A_431, %get3A_76 : vector<16xf32>
          %parallel_loop3A_433 = arith.addf %parallel_loop3A_425, %parallel_loop3A_432 : vector<16xf32>
          %parallel_loop3A_434 = arith.constant 10 : i32
          %parallel_loop3A_435 = vector.broadcast %parallel_loop3A_434 : i32 to vector<16xi32>
          %parallel_loop3A_436 = arith.addi %and3A_5, %parallel_loop3A_435 : vector<16xi32>
          %parallel_loop3A_437 = vector.shape_cast %parallel_loop3A_436 : vector<16xi32> to vector<16x1xi32>
          %parallel_loop3A_438 = vector.shape_cast %parallel_loop3A_437 : vector<16x1xi32> to vector<16xi32>
          %parallel_loop3A_439 = tpu.dynamic_gather %parallel_loop3A_353[%parallel_loop3A_438] in [0] : vector<16xf32>, vector<16xi32> -> vector<16xf32>
          %parallel_loop3A_440 = arith.mulf %parallel_loop3A_439, %get3A_81 : vector<16xf32>
          %parallel_loop3A_441 = arith.addf %parallel_loop3A_433, %parallel_loop3A_440 : vector<16xf32>
          %parallel_loop3A_442 = arith.constant 11 : i32
          %parallel_loop3A_443 = vector.broadcast %parallel_loop3A_442 : i32 to vector<16xi32>
          %parallel_loop3A_444 = arith.addi %and3A_5, %parallel_loop3A_443 : vector<16xi32>
          %parallel_loop3A_445 = vector.shape_cast %parallel_loop3A_444 : vector<16xi32> to vector<16x1xi32>
          %parallel_loop3A_446 = vector.shape_cast %parallel_loop3A_445 : vector<16x1xi32> to vector<16xi32>
          %parallel_loop3A_447 = tpu.dynamic_gather %parallel_loop3A_353[%parallel_loop3A_446] in [0] : vector<16xf32>, vector<16xi32> -> vector<16xf32>
          %parallel_loop3A_448 = arith.mulf %parallel_loop3A_447, %get3A_86 : vector<16xf32>
          %parallel_loop3A_449 = arith.addf %parallel_loop3A_441, %parallel_loop3A_448 : vector<16xf32>
          %parallel_loop3A_450 = arith.constant 12 : i32
          %parallel_loop3A_451 = vector.broadcast %parallel_loop3A_450 : i32 to vector<16xi32>
          %parallel_loop3A_452 = arith.addi %and3A_5, %parallel_loop3A_451 : vector<16xi32>
          %parallel_loop3A_453 = vector.shape_cast %parallel_loop3A_452 : vector<16xi32> to vector<16x1xi32>
          %parallel_loop3A_454 = vector.shape_cast %parallel_loop3A_453 : vector<16x1xi32> to vector<16xi32>
          %parallel_loop3A_455 = tpu.dynamic_gather %parallel_loop3A_353[%parallel_loop3A_454] in [0] : vector<16xf32>, vector<16xi32> -> vector<16xf32>
          %parallel_loop3A_456 = arith.mulf %parallel_loop3A_455, %get3A_91 : vector<16xf32>
          %parallel_loop3A_457 = arith.addf %parallel_loop3A_449, %parallel_loop3A_456 : vector<16xf32>
          %parallel_loop3A_458 = arith.constant 13 : i32
          %parallel_loop3A_459 = vector.broadcast %parallel_loop3A_458 : i32 to vector<16xi32>
          %parallel_loop3A_460 = arith.addi %and3A_5, %parallel_loop3A_459 : vector<16xi32>
          %parallel_loop3A_461 = vector.shape_cast %parallel_loop3A_460 : vector<16xi32> to vector<16x1xi32>
          %parallel_loop3A_462 = vector.shape_cast %parallel_loop3A_461 : vector<16x1xi32> to vector<16xi32>
          %parallel_loop3A_463 = tpu.dynamic_gather %parallel_loop3A_353[%parallel_loop3A_462] in [0] : vector<16xf32>, vector<16xi32> -> vector<16xf32>
          %parallel_loop3A_464 = arith.mulf %parallel_loop3A_463, %get3A_96 : vector<16xf32>
          %parallel_loop3A_465 = arith.addf %parallel_loop3A_457, %parallel_loop3A_464 : vector<16xf32>
          %parallel_loop3A_466 = arith.constant 14 : i32
          %parallel_loop3A_467 = vector.broadcast %parallel_loop3A_466 : i32 to vector<16xi32>
          %parallel_loop3A_468 = arith.addi %and3A_5, %parallel_loop3A_467 : vector<16xi32>
          %parallel_loop3A_469 = vector.shape_cast %parallel_loop3A_468 : vector<16xi32> to vector<16x1xi32>
          %parallel_loop3A_470 = vector.shape_cast %parallel_loop3A_469 : vector<16x1xi32> to vector<16xi32>
          %parallel_loop3A_471 = tpu.dynamic_gather %parallel_loop3A_353[%parallel_loop3A_470] in [0] : vector<16xf32>, vector<16xi32> -> vector<16xf32>
          %parallel_loop3A_472 = arith.mulf %parallel_loop3A_471, %get3A_101 : vector<16xf32>
          %parallel_loop3A_473 = arith.addf %parallel_loop3A_465, %parallel_loop3A_472 : vector<16xf32>
          %parallel_loop3A_474 = arith.constant 15 : i32
          %parallel_loop3A_475 = vector.broadcast %parallel_loop3A_474 : i32 to vector<16xi32>
          %parallel_loop3A_476 = arith.addi %and3A_5, %parallel_loop3A_475 : vector<16xi32>
          %parallel_loop3A_477 = vector.shape_cast %parallel_loop3A_476 : vector<16xi32> to vector<16x1xi32>
          %parallel_loop3A_478 = vector.shape_cast %parallel_loop3A_477 : vector<16x1xi32> to vector<16xi32>
          %parallel_loop3A_479 = tpu.dynamic_gather %parallel_loop3A_353[%parallel_loop3A_478] in [0] : vector<16xf32>, vector<16xi32> -> vector<16xf32>
          %parallel_loop3A_480 = arith.mulf %parallel_loop3A_479, %get3A_106 : vector<16xf32>
          %parallel_loop3A_481 = arith.addf %parallel_loop3A_473, %parallel_loop3A_480 : vector<16xf32>
          %parallel_loop3A_482 = arith.constant 0.000000e+00 : f32
          %parallel_loop3A_483 = vector.broadcast %parallel_loop3A_482 : f32 to vector<16xf32>
          %parallel_loop3A_484 = arith.maximumf %parallel_loop3A_481, %parallel_loop3A_483 : vector<16xf32>
          %parallel_loop3A_485 = arith.index_cast %parallel_loop3A_284 : i32 to index
          %parallel_loop3A_486 = arith.constant 0 : index
          %parallel_loop3A_487 = tpu.vector_load %arg13[%parallel_loop3A_485, %parallel_loop3A_486] {strides = array<i32>} : memref<128x16xf32, #tpu.memory_space<vmem>>, vector<1x16xf32>,
          %parallel_loop3A_488 = vector.shape_cast %parallel_loop3A_487 : vector<1x16xf32> to vector<16xf32>
          %parallel_loop3A_489 = vector.shape_cast %parallel_loop3A_484 : vector<16xf32> to vector<1x16xf32>
          tpu.vector_store %arg13[%parallel_loop3A_485, %parallel_loop3A_486], %parallel_loop3A_489 {strides = array<i32>} : memref<128x16xf32, #tpu.memory_space<vmem>>, vector<1x16xf32>,
        } {sc.loop_unroll_factor = 2 : i64, sc.parallel_access}
        %dma_start3A_231 = arith.constant 0 : i32
        %dma_start3A_232 = tpu.memref_slice %arg10[%mul3A_175, %dma_start3A_231] : memref<16x128xi32, #tpu.memory_space<vmem>> -> memref<1x128xi32, #tpu.memory_space<vmem>>
        %dma_start3A_233 = tpu.memref_squeeze %dma_start3A_232 : memref<1x128xi32, #tpu.memory_space<vmem>> -> memref<128xi32, #tpu.memory_space<vmem>>
        %dma_start3A_234 = arith.constant 0 : i32
        %dma_start3A_235 = arith.constant 0 : i32
        %dma_start3A_236 = tpu.memref_slice %arg17[%dma_start3A_234, %dma_start3A_235] : memref<100352x16xf32, #tpu.memory_space<vmem_shared>> -> memref<100352x16xf32, #tpu.memory_space<vmem_shared>>
        tpu.enqueue_indirect_dma source(%arg13 : memref<128x16xf32, #tpu.memory_space<vmem>>) target(%dma_start3A_236 : memref<100352x16xf32, #tpu.memory_space<vmem_shared>>) offsets(%dma_start3A_233 : memref<128xi32, #tpu.memory_space<vmem>>) semaphore(%arg22 : memref<!tpu.dma_semaphore, #tpu.memory_space<semaphore_mem>>) {add = true}
        %lt3A = arith.constant 7 : i32
        %lt3A_237 = arith.cmpi slt, %add3A_173, %lt3A : i32
        %convert_element_type3A_238 = arith.extui %lt3A_237 : i1 to i32
        %cond3A_239 = arith.constant 0 : i32
        %cond3A_240 = arith.cmpi ne, %convert_element_type3A_238, %cond3A_239 : i32
        scf.if %cond3A_240 {
          %add3A_284 = arith.constant 2 : i32
          %add3A_285 = arith.addi %mul3A_175, %add3A_284 : i32
          %dma_start3A_286 = arith.constant 0 : i32
          %dma_start3A_287 = arith.constant 0 : i32
          %dma_start3A_288 = arith.constant 0 : i32
          %dma_start3A_289 = tpu.memref_slice %arg11[%dma_start3A_286, %dma_start3A_287, %dma_start3A_288] : memref<2x128x24xf32, #tpu.memory_space<vmem>> -> memref<1x128x24xf32, #tpu.memory_space<vmem>>
          %dma_start3A_290 = tpu.memref_squeeze %dma_start3A_289 : memref<1x128x24xf32, #tpu.memory_space<vmem>> -> memref<128x24xf32, #tpu.memory_space<vmem>>
          %dma_start3A_291 = arith.constant 0 : i32
          %dma_start3A_292 = tpu.memref_slice %arg9[%add3A_285, %dma_start3A_291] : memref<16x128xi32, #tpu.memory_space<vmem>> -> memref<1x128xi32, #tpu.memory_space<vmem>>
          %dma_start3A_293 = tpu.memref_squeeze %dma_start3A_292 : memref<1x128xi32, #tpu.memory_space<vmem>> -> memref<128xi32, #tpu.memory_space<vmem>>
          %dma_start3A_294 = arith.constant 0 : i32
          %dma_start3A_295 = arith.constant 0 : i32
          %dma_start3A_296 = tpu.memref_slice %arg4[%dma_start3A_294, %dma_start3A_295] : memref<102400x24xf32, #tpu.memory_space<hbm>> -> memref<102400x24xf32, #tpu.memory_space<hbm>>
          tpu.enqueue_indirect_dma source(%dma_start3A_296 : memref<102400x24xf32, #tpu.memory_space<hbm>>) target(%dma_start3A_290 : memref<128x24xf32, #tpu.memory_space<vmem>>) offsets(%dma_start3A_293 : memref<128xi32, #tpu.memory_space<vmem>>) semaphore(%arg18 : memref<!tpu.dma_semaphore, #tpu.memory_space<semaphore_mem>>)
          %dma_start3A_297 = arith.constant 0 : i32
          %dma_start3A_298 = arith.constant 0 : i32
          %dma_start3A_299 = arith.constant 0 : i32
          %dma_start3A_300 = tpu.memref_slice %arg12[%dma_start3A_297, %dma_start3A_298, %dma_start3A_299] : memref<2x128x24xf32, #tpu.memory_space<vmem>> -> memref<1x128x24xf32, #tpu.memory_space<vmem>>
          %dma_start3A_301 = tpu.memref_squeeze %dma_start3A_300 : memref<1x128x24xf32, #tpu.memory_space<vmem>> -> memref<128x24xf32, #tpu.memory_space<vmem>>
          %dma_start3A_302 = arith.constant 0 : i32
          %dma_start3A_303 = tpu.memref_slice %arg10[%add3A_285, %dma_start3A_302] : memref<16x128xi32, #tpu.memory_space<vmem>> -> memref<1x128xi32, #tpu.memory_space<vmem>>
          %dma_start3A_304 = tpu.memref_squeeze %dma_start3A_303 : memref<1x128xi32, #tpu.memory_space<vmem>> -> memref<128xi32, #tpu.memory_space<vmem>>
          %dma_start3A_305 = arith.constant 0 : i32
          %dma_start3A_306 = arith.constant 0 : i32
          %dma_start3A_307 = tpu.memref_slice %arg5[%dma_start3A_305, %dma_start3A_306] : memref<102400x24xf32, #tpu.memory_space<hbm>> -> memref<102400x24xf32, #tpu.memory_space<hbm>>
          tpu.enqueue_indirect_dma source(%dma_start3A_307 : memref<102400x24xf32, #tpu.memory_space<hbm>>) target(%dma_start3A_301 : memref<128x24xf32, #tpu.memory_space<vmem>>) offsets(%dma_start3A_304 : memref<128xi32, #tpu.memory_space<vmem>>) semaphore(%arg20 : memref<!tpu.dma_semaphore, #tpu.memory_space<semaphore_mem>>)
        } else {
        }
        %dma_wait3A_241 = arith.constant 0 : i32
        %dma_wait3A_242 = arith.constant 1 : i32
        %dma_wait3A_243 = arith.constant 0 : i32
        %dma_wait3A_244 = arith.constant 0 : i32
        %dma_wait3A_245 = tpu.memref_slice %arg11[%dma_wait3A_242, %dma_wait3A_243, %dma_wait3A_244] : memref<2x128x24xf32, #tpu.memory_space<vmem>> -> memref<1x128x24xf32, #tpu.memory_space<vmem>>
        %dma_wait3A_246 = tpu.memref_squeeze %dma_wait3A_245 : memref<1x128x24xf32, #tpu.memory_space<vmem>> -> memref<128x24xf32, #tpu.memory_space<vmem>>
        %dma_wait3A_247 = arith.constant 0 : i32
        %dma_wait3A_248 = tpu.memref_slice %arg9[%dma_wait3A_241, %dma_wait3A_247] : memref<16x128xi32, #tpu.memory_space<vmem>> -> memref<1x128xi32, #tpu.memory_space<vmem>>
        %dma_wait3A_249 = tpu.memref_squeeze %dma_wait3A_248 : memref<1x128xi32, #tpu.memory_space<vmem>> -> memref<128xi32, #tpu.memory_space<vmem>>
        %dma_wait3A_250 = arith.constant 0 : i32
        %dma_wait3A_251 = arith.constant 0 : i32
        %dma_wait3A_252 = tpu.memref_slice %arg4[%dma_wait3A_250, %dma_wait3A_251] : memref<102400x24xf32, #tpu.memory_space<hbm>> -> memref<102400x24xf32, #tpu.memory_space<hbm>>
        tpu.wait_indirect_dma semaphore(%arg19 : memref<!tpu.dma_semaphore, #tpu.memory_space<semaphore_mem>>) src(%dma_wait3A_252 : memref<102400x24xf32, #tpu.memory_space<hbm>>) dst(%dma_wait3A_246 : memref<128x24xf32, #tpu.memory_space<vmem>>)
        %dma_wait3A_253 = arith.constant 0 : i32
        %dma_wait3A_254 = arith.constant 1 : i32
        %dma_wait3A_255 = arith.constant 0 : i32
        %dma_wait3A_256 = arith.constant 0 : i32
        %dma_wait3A_257 = tpu.memref_slice %arg12[%dma_wait3A_254, %dma_wait3A_255, %dma_wait3A_256] : memref<2x128x24xf32, #tpu.memory_space<vmem>> -> memref<1x128x24xf32, #tpu.memory_space<vmem>>
        %dma_wait3A_258 = tpu.memref_squeeze %dma_wait3A_257 : memref<1x128x24xf32, #tpu.memory_space<vmem>> -> memref<128x24xf32, #tpu.memory_space<vmem>>
        %dma_wait3A_259 = arith.constant 0 : i32
        %dma_wait3A_260 = tpu.memref_slice %arg10[%dma_wait3A_253, %dma_wait3A_259] : memref<16x128xi32, #tpu.memory_space<vmem>> -> memref<1x128xi32, #tpu.memory_space<vmem>>
        %dma_wait3A_261 = tpu.memref_squeeze %dma_wait3A_260 : memref<1x128xi32, #tpu.memory_space<vmem>> -> memref<128xi32, #tpu.memory_space<vmem>>
        %dma_wait3A_262 = arith.constant 0 : i32
        %dma_wait3A_263 = arith.constant 0 : i32
        %dma_wait3A_264 = tpu.memref_slice %arg5[%dma_wait3A_262, %dma_wait3A_263] : memref<102400x24xf32, #tpu.memory_space<hbm>> -> memref<102400x24xf32, #tpu.memory_space<hbm>>
        tpu.wait_indirect_dma semaphore(%arg21 : memref<!tpu.dma_semaphore, #tpu.memory_space<semaphore_mem>>) src(%dma_wait3A_264 : memref<102400x24xf32, #tpu.memory_space<hbm>>) dst(%dma_wait3A_258 : memref<128x24xf32, #tpu.memory_space<vmem>>)
        %add3A_265 = arith.constant 1 : i32
        %add3A_266 = arith.addi %mul3A_175, %add3A_265 : i32
        %add3A_267 = arith.addi %add3A_135, %add3A_173 : i32
        %eq3A_268 = arith.constant 0 : i32
        %eq3A_269 = arith.cmpi eq, %add3A_267, %eq3A_268 : i32
        %not3A_270 = arith.constant true
        %not3A_271 = arith.xori %eq3A_269, %not3A_270 : i1
        %convert_element_type3A_272 = arith.extui %not3A_271 : i1 to i32
        %cond3A_273 = arith.constant 0 : i32
        %cond3A_274 = arith.cmpi ne, %convert_element_type3A_272, %cond3A_273 : i32
        scf.if %cond3A_274 {
          %dma_wait3A_284 = arith.constant 0 : i32
          %dma_wait3A_285 = arith.constant 0 : i32
          %dma_wait3A_286 = tpu.memref_slice %arg10[%dma_wait3A_284, %dma_wait3A_285] : memref<16x128xi32, #tpu.memory_space<vmem>> -> memref<1x128xi32, #tpu.memory_space<vmem>>
          %dma_wait3A_287 = tpu.memref_squeeze %dma_wait3A_286 : memref<1x128xi32, #tpu.memory_space<vmem>> -> memref<128xi32, #tpu.memory_space<vmem>>
          %dma_wait3A_288 = arith.constant 0 : i32
          %dma_wait3A_289 = arith.constant 0 : i32
          %dma_wait3A_290 = tpu.memref_slice %arg17[%dma_wait3A_288, %dma_wait3A_289] : memref<100352x16xf32, #tpu.memory_space<vmem_shared>> -> memref<100352x16xf32, #tpu.memory_space<vmem_shared>>
          tpu.wait_indirect_dma semaphore(%arg23 : memref<!tpu.dma_semaphore, #tpu.memory_space<semaphore_mem>>) src(%arg14 : memref<128x16xf32, #tpu.memory_space<vmem>>) dst(%dma_wait3A_290 : memref<100352x16xf32, #tpu.memory_space<vmem_shared>>)
        } else {
        }
        %parallel_loop3A_275 = arith.constant 0 : i32
        %parallel_loop3A_276 = arith.constant 128 : i32
        %parallel_loop3A_277 = arith.constant 1 : i32
        scf.for %parallel_loop3A_284 = %parallel_loop3A_275 to %parallel_loop3A_276 step %parallel_loop3A_277  : i32 {
          %parallel_loop3A_285 = arith.constant 1 : i32
          %parallel_loop3A_286 = arith.index_cast %parallel_loop3A_285 : i32 to index
          %parallel_loop3A_287 = arith.index_cast %parallel_loop3A_284 : i32 to index
          %parallel_loop3A_288 = arith.constant 0 : index
          %parallel_loop3A_289 = tpu.vector_load %arg11[%parallel_loop3A_286, %parallel_loop3A_287, %parallel_loop3A_288] {strides = array<i32>} : memref<2x128x24xf32, #tpu.memory_space<vmem>>, vector<1x1x16xf32>,
          %parallel_loop3A_290 = vector.shape_cast %parallel_loop3A_289 : vector<1x1x16xf32> to vector<16xf32>
          %parallel_loop3A_291 = arith.constant 1 : i32
          %parallel_loop3A_292 = arith.index_cast %parallel_loop3A_291 : i32 to index
          %parallel_loop3A_293 = arith.index_cast %parallel_loop3A_284 : i32 to index
          %parallel_loop3A_294 = arith.constant 8 : index
          %parallel_loop3A_295 = tpu.vector_load %arg11[%parallel_loop3A_292, %parallel_loop3A_293, %parallel_loop3A_294] {strides = array<i32>} : memref<2x128x24xf32, #tpu.memory_space<vmem>>, vector<1x1x16xf32>,
          %parallel_loop3A_296 = vector.shape_cast %parallel_loop3A_295 : vector<1x1x16xf32> to vector<16xf32>
          %parallel_loop3A_297 = arith.constant 1 : i32
          %parallel_loop3A_298 = arith.index_cast %parallel_loop3A_297 : i32 to index
          %parallel_loop3A_299 = arith.index_cast %parallel_loop3A_284 : i32 to index
          %parallel_loop3A_300 = arith.constant 0 : index
          %parallel_loop3A_301 = tpu.vector_load %arg12[%parallel_loop3A_298, %parallel_loop3A_299, %parallel_loop3A_300] {strides = array<i32>} : memref<2x128x24xf32, #tpu.memory_space<vmem>>, vector<1x1x16xf32>,
          %parallel_loop3A_302 = vector.shape_cast %parallel_loop3A_301 : vector<1x1x16xf32> to vector<16xf32>
          %parallel_loop3A_303 = arith.constant 1 : i32
          %parallel_loop3A_304 = arith.index_cast %parallel_loop3A_303 : i32 to index
          %parallel_loop3A_305 = arith.index_cast %parallel_loop3A_284 : i32 to index
          %parallel_loop3A_306 = arith.constant 8 : index
          %parallel_loop3A_307 = tpu.vector_load %arg12[%parallel_loop3A_304, %parallel_loop3A_305, %parallel_loop3A_306] {strides = array<i32>} : memref<2x128x24xf32, #tpu.memory_space<vmem>>, vector<1x1x16xf32>,
          %parallel_loop3A_308 = vector.shape_cast %parallel_loop3A_307 : vector<1x1x16xf32> to vector<16xf32>
          %parallel_loop3A_309 = arith.subf %parallel_loop3A_296, %parallel_loop3A_308 : vector<16xf32>
          %parallel_loop3A_310 = arith.mulf %parallel_loop3A_309, %parallel_loop3A_309 : vector<16xf32>
          %parallel_loop3A_311 = vector.shape_cast %xor3A_2 : vector<16xi32> to vector<16x1xi32>
          %parallel_loop3A_312 = vector.shape_cast %parallel_loop3A_311 : vector<16x1xi32> to vector<16xi32>
          %parallel_loop3A_313 = tpu.dynamic_gather %parallel_loop3A_310[%parallel_loop3A_312] in [0] : vector<16xf32>, vector<16xi32> -> vector<16xf32>
          %parallel_loop3A_314 = arith.addf %parallel_loop3A_310, %parallel_loop3A_313 : vector<16xf32>
          %parallel_loop3A_315 = vector.shape_cast %add3A_8 : vector<16xi32> to vector<16x1xi32>
          %parallel_loop3A_316 = vector.shape_cast %parallel_loop3A_315 : vector<16x1xi32> to vector<16xi32>
          %parallel_loop3A_317 = tpu.dynamic_gather %parallel_loop3A_314[%parallel_loop3A_316] in [0] : vector<16xf32>, vector<16xi32> -> vector<16xf32>
          %parallel_loop3A_318 = tpu.bitcast %parallel_loop3A_317 : vector<16xf32> -> vector<16xi32>
          %parallel_loop3A_319 = arith.constant 1 : i32
          %parallel_loop3A_320 = vector.broadcast %parallel_loop3A_319 : i32 to vector<16xi32>
          %parallel_loop3A_321 = arith.shrsi %parallel_loop3A_318, %parallel_loop3A_320 : vector<16xi32>
          %parallel_loop3A_322 = arith.constant 1597463007 : i32
          %parallel_loop3A_323 = vector.broadcast %parallel_loop3A_322 : i32 to vector<16xi32>
          %parallel_loop3A_324 = arith.subi %parallel_loop3A_323, %parallel_loop3A_321 : vector<16xi32>
          %parallel_loop3A_325 = tpu.bitcast %parallel_loop3A_324 : vector<16xi32> -> vector<16xf32>
          %parallel_loop3A_326 = arith.constant 5.000000e-01 : f32
          %parallel_loop3A_327 = vector.broadcast %parallel_loop3A_326 : f32 to vector<16xf32>
          %parallel_loop3A_328 = arith.mulf %parallel_loop3A_327, %parallel_loop3A_317 : vector<16xf32>
          %parallel_loop3A_329 = arith.mulf %parallel_loop3A_328, %parallel_loop3A_325 : vector<16xf32>
          %parallel_loop3A_330 = arith.mulf %parallel_loop3A_329, %parallel_loop3A_325 : vector<16xf32>
          %parallel_loop3A_331 = arith.constant 1.500000e+00 : f32
          %parallel_loop3A_332 = vector.broadcast %parallel_loop3A_331 : f32 to vector<16xf32>
          %parallel_loop3A_333 = arith.subf %parallel_loop3A_332, %parallel_loop3A_330 : vector<16xf32>
          %parallel_loop3A_334 = arith.mulf %parallel_loop3A_325, %parallel_loop3A_333 : vector<16xf32>
          %parallel_loop3A_335 = arith.mulf %parallel_loop3A_328, %parallel_loop3A_334 : vector<16xf32>
          %parallel_loop3A_336 = arith.mulf %parallel_loop3A_335, %parallel_loop3A_334 : vector<16xf32>
          %parallel_loop3A_337 = arith.constant 1.500000e+00 : f32
          %parallel_loop3A_338 = vector.broadcast %parallel_loop3A_337 : f32 to vector<16xf32>
          %parallel_loop3A_339 = arith.subf %parallel_loop3A_338, %parallel_loop3A_336 : vector<16xf32>
          %parallel_loop3A_340 = arith.mulf %parallel_loop3A_334, %parallel_loop3A_339 : vector<16xf32>
          %parallel_loop3A_341 = arith.mulf %parallel_loop3A_328, %parallel_loop3A_340 : vector<16xf32>
          %parallel_loop3A_342 = arith.mulf %parallel_loop3A_341, %parallel_loop3A_340 : vector<16xf32>
          %parallel_loop3A_343 = arith.constant 1.500000e+00 : f32
          %parallel_loop3A_344 = vector.broadcast %parallel_loop3A_343 : f32 to vector<16xf32>
          %parallel_loop3A_345 = arith.subf %parallel_loop3A_344, %parallel_loop3A_342 : vector<16xf32>
          %parallel_loop3A_346 = arith.mulf %parallel_loop3A_340, %parallel_loop3A_345 : vector<16xf32>
          %parallel_loop3A_347 = arith.mulf %parallel_loop3A_317, %parallel_loop3A_346 : vector<16xf32>
          %parallel_loop3A_348 = arith.addf %parallel_loop3A_290, %parallel_loop3A_302 : vector<16xf32>
          %parallel_loop3A_349 = arith.mulf %parallel_loop3A_347, %get3A_21 : vector<16xf32>
          %parallel_loop3A_350 = arith.addf %parallel_loop3A_348, %parallel_loop3A_349 : vector<16xf32>
          %parallel_loop3A_351 = arith.constant 0.000000e+00 : f32
          %parallel_loop3A_352 = vector.broadcast %parallel_loop3A_351 : f32 to vector<16xf32>
          %parallel_loop3A_353 = arith.maximumf %parallel_loop3A_350, %parallel_loop3A_352 : vector<16xf32>
          %parallel_loop3A_354 = arith.constant 0 : i32
          %parallel_loop3A_355 = vector.broadcast %parallel_loop3A_354 : i32 to vector<16xi32>
          %parallel_loop3A_356 = arith.addi %and3A_5, %parallel_loop3A_355 : vector<16xi32>
          %parallel_loop3A_357 = vector.shape_cast %parallel_loop3A_356 : vector<16xi32> to vector<16x1xi32>
          %parallel_loop3A_358 = vector.shape_cast %parallel_loop3A_357 : vector<16x1xi32> to vector<16xi32>
          %parallel_loop3A_359 = tpu.dynamic_gather %parallel_loop3A_353[%parallel_loop3A_358] in [0] : vector<16xf32>, vector<16xi32> -> vector<16xf32>
          %parallel_loop3A_360 = arith.mulf %parallel_loop3A_359, %get3A_31 : vector<16xf32>
          %parallel_loop3A_361 = arith.addf %get3A_26, %parallel_loop3A_360 : vector<16xf32>
          %parallel_loop3A_362 = arith.constant 1 : i32
          %parallel_loop3A_363 = vector.broadcast %parallel_loop3A_362 : i32 to vector<16xi32>
          %parallel_loop3A_364 = arith.addi %and3A_5, %parallel_loop3A_363 : vector<16xi32>
          %parallel_loop3A_365 = vector.shape_cast %parallel_loop3A_364 : vector<16xi32> to vector<16x1xi32>
          %parallel_loop3A_366 = vector.shape_cast %parallel_loop3A_365 : vector<16x1xi32> to vector<16xi32>
          %parallel_loop3A_367 = tpu.dynamic_gather %parallel_loop3A_353[%parallel_loop3A_366] in [0] : vector<16xf32>, vector<16xi32> -> vector<16xf32>
          %parallel_loop3A_368 = arith.mulf %parallel_loop3A_367, %get3A_36 : vector<16xf32>
          %parallel_loop3A_369 = arith.addf %parallel_loop3A_361, %parallel_loop3A_368 : vector<16xf32>
          %parallel_loop3A_370 = arith.constant 2 : i32
          %parallel_loop3A_371 = vector.broadcast %parallel_loop3A_370 : i32 to vector<16xi32>
          %parallel_loop3A_372 = arith.addi %and3A_5, %parallel_loop3A_371 : vector<16xi32>
          %parallel_loop3A_373 = vector.shape_cast %parallel_loop3A_372 : vector<16xi32> to vector<16x1xi32>
          %parallel_loop3A_374 = vector.shape_cast %parallel_loop3A_373 : vector<16x1xi32> to vector<16xi32>
          %parallel_loop3A_375 = tpu.dynamic_gather %parallel_loop3A_353[%parallel_loop3A_374] in [0] : vector<16xf32>, vector<16xi32> -> vector<16xf32>
          %parallel_loop3A_376 = arith.mulf %parallel_loop3A_375, %get3A_41 : vector<16xf32>
          %parallel_loop3A_377 = arith.addf %parallel_loop3A_369, %parallel_loop3A_376 : vector<16xf32>
          %parallel_loop3A_378 = arith.constant 3 : i32
          %parallel_loop3A_379 = vector.broadcast %parallel_loop3A_378 : i32 to vector<16xi32>
          %parallel_loop3A_380 = arith.addi %and3A_5, %parallel_loop3A_379 : vector<16xi32>
          %parallel_loop3A_381 = vector.shape_cast %parallel_loop3A_380 : vector<16xi32> to vector<16x1xi32>
          %parallel_loop3A_382 = vector.shape_cast %parallel_loop3A_381 : vector<16x1xi32> to vector<16xi32>
          %parallel_loop3A_383 = tpu.dynamic_gather %parallel_loop3A_353[%parallel_loop3A_382] in [0] : vector<16xf32>, vector<16xi32> -> vector<16xf32>
          %parallel_loop3A_384 = arith.mulf %parallel_loop3A_383, %get3A_46 : vector<16xf32>
          %parallel_loop3A_385 = arith.addf %parallel_loop3A_377, %parallel_loop3A_384 : vector<16xf32>
          %parallel_loop3A_386 = arith.constant 4 : i32
          %parallel_loop3A_387 = vector.broadcast %parallel_loop3A_386 : i32 to vector<16xi32>
          %parallel_loop3A_388 = arith.addi %and3A_5, %parallel_loop3A_387 : vector<16xi32>
          %parallel_loop3A_389 = vector.shape_cast %parallel_loop3A_388 : vector<16xi32> to vector<16x1xi32>
          %parallel_loop3A_390 = vector.shape_cast %parallel_loop3A_389 : vector<16x1xi32> to vector<16xi32>
          %parallel_loop3A_391 = tpu.dynamic_gather %parallel_loop3A_353[%parallel_loop3A_390] in [0] : vector<16xf32>, vector<16xi32> -> vector<16xf32>
          %parallel_loop3A_392 = arith.mulf %parallel_loop3A_391, %get3A_51 : vector<16xf32>
          %parallel_loop3A_393 = arith.addf %parallel_loop3A_385, %parallel_loop3A_392 : vector<16xf32>
          %parallel_loop3A_394 = arith.constant 5 : i32
          %parallel_loop3A_395 = vector.broadcast %parallel_loop3A_394 : i32 to vector<16xi32>
          %parallel_loop3A_396 = arith.addi %and3A_5, %parallel_loop3A_395 : vector<16xi32>
          %parallel_loop3A_397 = vector.shape_cast %parallel_loop3A_396 : vector<16xi32> to vector<16x1xi32>
          %parallel_loop3A_398 = vector.shape_cast %parallel_loop3A_397 : vector<16x1xi32> to vector<16xi32>
          %parallel_loop3A_399 = tpu.dynamic_gather %parallel_loop3A_353[%parallel_loop3A_398] in [0] : vector<16xf32>, vector<16xi32> -> vector<16xf32>
          %parallel_loop3A_400 = arith.mulf %parallel_loop3A_399, %get3A_56 : vector<16xf32>
          %parallel_loop3A_401 = arith.addf %parallel_loop3A_393, %parallel_loop3A_400 : vector<16xf32>
          %parallel_loop3A_402 = arith.constant 6 : i32
          %parallel_loop3A_403 = vector.broadcast %parallel_loop3A_402 : i32 to vector<16xi32>
          %parallel_loop3A_404 = arith.addi %and3A_5, %parallel_loop3A_403 : vector<16xi32>
          %parallel_loop3A_405 = vector.shape_cast %parallel_loop3A_404 : vector<16xi32> to vector<16x1xi32>
          %parallel_loop3A_406 = vector.shape_cast %parallel_loop3A_405 : vector<16x1xi32> to vector<16xi32>
          %parallel_loop3A_407 = tpu.dynamic_gather %parallel_loop3A_353[%parallel_loop3A_406] in [0] : vector<16xf32>, vector<16xi32> -> vector<16xf32>
          %parallel_loop3A_408 = arith.mulf %parallel_loop3A_407, %get3A_61 : vector<16xf32>
          %parallel_loop3A_409 = arith.addf %parallel_loop3A_401, %parallel_loop3A_408 : vector<16xf32>
          %parallel_loop3A_410 = arith.constant 7 : i32
          %parallel_loop3A_411 = vector.broadcast %parallel_loop3A_410 : i32 to vector<16xi32>
          %parallel_loop3A_412 = arith.addi %and3A_5, %parallel_loop3A_411 : vector<16xi32>
          %parallel_loop3A_413 = vector.shape_cast %parallel_loop3A_412 : vector<16xi32> to vector<16x1xi32>
          %parallel_loop3A_414 = vector.shape_cast %parallel_loop3A_413 : vector<16x1xi32> to vector<16xi32>
          %parallel_loop3A_415 = tpu.dynamic_gather %parallel_loop3A_353[%parallel_loop3A_414] in [0] : vector<16xf32>, vector<16xi32> -> vector<16xf32>
          %parallel_loop3A_416 = arith.mulf %parallel_loop3A_415, %get3A_66 : vector<16xf32>
          %parallel_loop3A_417 = arith.addf %parallel_loop3A_409, %parallel_loop3A_416 : vector<16xf32>
          %parallel_loop3A_418 = arith.constant 8 : i32
          %parallel_loop3A_419 = vector.broadcast %parallel_loop3A_418 : i32 to vector<16xi32>
          %parallel_loop3A_420 = arith.addi %and3A_5, %parallel_loop3A_419 : vector<16xi32>
          %parallel_loop3A_421 = vector.shape_cast %parallel_loop3A_420 : vector<16xi32> to vector<16x1xi32>
          %parallel_loop3A_422 = vector.shape_cast %parallel_loop3A_421 : vector<16x1xi32> to vector<16xi32>
          %parallel_loop3A_423 = tpu.dynamic_gather %parallel_loop3A_353[%parallel_loop3A_422] in [0] : vector<16xf32>, vector<16xi32> -> vector<16xf32>
          %parallel_loop3A_424 = arith.mulf %parallel_loop3A_423, %get3A_71 : vector<16xf32>
          %parallel_loop3A_425 = arith.addf %parallel_loop3A_417, %parallel_loop3A_424 : vector<16xf32>
          %parallel_loop3A_426 = arith.constant 9 : i32
          %parallel_loop3A_427 = vector.broadcast %parallel_loop3A_426 : i32 to vector<16xi32>
          %parallel_loop3A_428 = arith.addi %and3A_5, %parallel_loop3A_427 : vector<16xi32>
          %parallel_loop3A_429 = vector.shape_cast %parallel_loop3A_428 : vector<16xi32> to vector<16x1xi32>
          %parallel_loop3A_430 = vector.shape_cast %parallel_loop3A_429 : vector<16x1xi32> to vector<16xi32>
          %parallel_loop3A_431 = tpu.dynamic_gather %parallel_loop3A_353[%parallel_loop3A_430] in [0] : vector<16xf32>, vector<16xi32> -> vector<16xf32>
          %parallel_loop3A_432 = arith.mulf %parallel_loop3A_431, %get3A_76 : vector<16xf32>
          %parallel_loop3A_433 = arith.addf %parallel_loop3A_425, %parallel_loop3A_432 : vector<16xf32>
          %parallel_loop3A_434 = arith.constant 10 : i32
          %parallel_loop3A_435 = vector.broadcast %parallel_loop3A_434 : i32 to vector<16xi32>
          %parallel_loop3A_436 = arith.addi %and3A_5, %parallel_loop3A_435 : vector<16xi32>
          %parallel_loop3A_437 = vector.shape_cast %parallel_loop3A_436 : vector<16xi32> to vector<16x1xi32>
          %parallel_loop3A_438 = vector.shape_cast %parallel_loop3A_437 : vector<16x1xi32> to vector<16xi32>
          %parallel_loop3A_439 = tpu.dynamic_gather %parallel_loop3A_353[%parallel_loop3A_438] in [0] : vector<16xf32>, vector<16xi32> -> vector<16xf32>
          %parallel_loop3A_440 = arith.mulf %parallel_loop3A_439, %get3A_81 : vector<16xf32>
          %parallel_loop3A_441 = arith.addf %parallel_loop3A_433, %parallel_loop3A_440 : vector<16xf32>
          %parallel_loop3A_442 = arith.constant 11 : i32
          %parallel_loop3A_443 = vector.broadcast %parallel_loop3A_442 : i32 to vector<16xi32>
          %parallel_loop3A_444 = arith.addi %and3A_5, %parallel_loop3A_443 : vector<16xi32>
          %parallel_loop3A_445 = vector.shape_cast %parallel_loop3A_444 : vector<16xi32> to vector<16x1xi32>
          %parallel_loop3A_446 = vector.shape_cast %parallel_loop3A_445 : vector<16x1xi32> to vector<16xi32>
          %parallel_loop3A_447 = tpu.dynamic_gather %parallel_loop3A_353[%parallel_loop3A_446] in [0] : vector<16xf32>, vector<16xi32> -> vector<16xf32>
          %parallel_loop3A_448 = arith.mulf %parallel_loop3A_447, %get3A_86 : vector<16xf32>
          %parallel_loop3A_449 = arith.addf %parallel_loop3A_441, %parallel_loop3A_448 : vector<16xf32>
          %parallel_loop3A_450 = arith.constant 12 : i32
          %parallel_loop3A_451 = vector.broadcast %parallel_loop3A_450 : i32 to vector<16xi32>
          %parallel_loop3A_452 = arith.addi %and3A_5, %parallel_loop3A_451 : vector<16xi32>
          %parallel_loop3A_453 = vector.shape_cast %parallel_loop3A_452 : vector<16xi32> to vector<16x1xi32>
          %parallel_loop3A_454 = vector.shape_cast %parallel_loop3A_453 : vector<16x1xi32> to vector<16xi32>
          %parallel_loop3A_455 = tpu.dynamic_gather %parallel_loop3A_353[%parallel_loop3A_454] in [0] : vector<16xf32>, vector<16xi32> -> vector<16xf32>
          %parallel_loop3A_456 = arith.mulf %parallel_loop3A_455, %get3A_91 : vector<16xf32>
          %parallel_loop3A_457 = arith.addf %parallel_loop3A_449, %parallel_loop3A_456 : vector<16xf32>
          %parallel_loop3A_458 = arith.constant 13 : i32
          %parallel_loop3A_459 = vector.broadcast %parallel_loop3A_458 : i32 to vector<16xi32>
          %parallel_loop3A_460 = arith.addi %and3A_5, %parallel_loop3A_459 : vector<16xi32>
          %parallel_loop3A_461 = vector.shape_cast %parallel_loop3A_460 : vector<16xi32> to vector<16x1xi32>
          %parallel_loop3A_462 = vector.shape_cast %parallel_loop3A_461 : vector<16x1xi32> to vector<16xi32>
          %parallel_loop3A_463 = tpu.dynamic_gather %parallel_loop3A_353[%parallel_loop3A_462] in [0] : vector<16xf32>, vector<16xi32> -> vector<16xf32>
          %parallel_loop3A_464 = arith.mulf %parallel_loop3A_463, %get3A_96 : vector<16xf32>
          %parallel_loop3A_465 = arith.addf %parallel_loop3A_457, %parallel_loop3A_464 : vector<16xf32>
          %parallel_loop3A_466 = arith.constant 14 : i32
          %parallel_loop3A_467 = vector.broadcast %parallel_loop3A_466 : i32 to vector<16xi32>
          %parallel_loop3A_468 = arith.addi %and3A_5, %parallel_loop3A_467 : vector<16xi32>
          %parallel_loop3A_469 = vector.shape_cast %parallel_loop3A_468 : vector<16xi32> to vector<16x1xi32>
          %parallel_loop3A_470 = vector.shape_cast %parallel_loop3A_469 : vector<16x1xi32> to vector<16xi32>
          %parallel_loop3A_471 = tpu.dynamic_gather %parallel_loop3A_353[%parallel_loop3A_470] in [0] : vector<16xf32>, vector<16xi32> -> vector<16xf32>
          %parallel_loop3A_472 = arith.mulf %parallel_loop3A_471, %get3A_101 : vector<16xf32>
          %parallel_loop3A_473 = arith.addf %parallel_loop3A_465, %parallel_loop3A_472 : vector<16xf32>
          %parallel_loop3A_474 = arith.constant 15 : i32
          %parallel_loop3A_475 = vector.broadcast %parallel_loop3A_474 : i32 to vector<16xi32>
          %parallel_loop3A_476 = arith.addi %and3A_5, %parallel_loop3A_475 : vector<16xi32>
          %parallel_loop3A_477 = vector.shape_cast %parallel_loop3A_476 : vector<16xi32> to vector<16x1xi32>
          %parallel_loop3A_478 = vector.shape_cast %parallel_loop3A_477 : vector<16x1xi32> to vector<16xi32>
          %parallel_loop3A_479 = tpu.dynamic_gather %parallel_loop3A_353[%parallel_loop3A_478] in [0] : vector<16xf32>, vector<16xi32> -> vector<16xf32>
          %parallel_loop3A_480 = arith.mulf %parallel_loop3A_479, %get3A_106 : vector<16xf32>
          %parallel_loop3A_481 = arith.addf %parallel_loop3A_473, %parallel_loop3A_480 : vector<16xf32>
          %parallel_loop3A_482 = arith.constant 0.000000e+00 : f32
          %parallel_loop3A_483 = vector.broadcast %parallel_loop3A_482 : f32 to vector<16xf32>
          %parallel_loop3A_484 = arith.maximumf %parallel_loop3A_481, %parallel_loop3A_483 : vector<16xf32>
          %parallel_loop3A_485 = arith.index_cast %parallel_loop3A_284 : i32 to index
          %parallel_loop3A_486 = arith.constant 0 : index
          %parallel_loop3A_487 = tpu.vector_load %arg14[%parallel_loop3A_485, %parallel_loop3A_486] {strides = array<i32>} : memref<128x16xf32, #tpu.memory_space<vmem>>, vector<1x16xf32>,
          %parallel_loop3A_488 = vector.shape_cast %parallel_loop3A_487 : vector<1x16xf32> to vector<16xf32>
          %parallel_loop3A_489 = vector.shape_cast %parallel_loop3A_484 : vector<16xf32> to vector<1x16xf32>
          tpu.vector_store %arg14[%parallel_loop3A_485, %parallel_loop3A_486], %parallel_loop3A_489 {strides = array<i32>} : memref<128x16xf32, #tpu.memory_space<vmem>>, vector<1x16xf32>,
        } {sc.loop_unroll_factor = 2 : i64, sc.parallel_access}
        %dma_start3A_278 = arith.constant 0 : i32
        %dma_start3A_279 = tpu.memref_slice %arg10[%add3A_266, %dma_start3A_278] : memref<16x128xi32, #tpu.memory_space<vmem>> -> memref<1x128xi32, #tpu.memory_space<vmem>>
        %dma_start3A_280 = tpu.memref_squeeze %dma_start3A_279 : memref<1x128xi32, #tpu.memory_space<vmem>> -> memref<128xi32, #tpu.memory_space<vmem>>
        %dma_start3A_281 = arith.constant 0 : i32
        %dma_start3A_282 = arith.constant 0 : i32
        %dma_start3A_283 = tpu.memref_slice %arg17[%dma_start3A_281, %dma_start3A_282] : memref<100352x16xf32, #tpu.memory_space<vmem_shared>> -> memref<100352x16xf32, #tpu.memory_space<vmem_shared>>
        tpu.enqueue_indirect_dma source(%arg14 : memref<128x16xf32, #tpu.memory_space<vmem>>) target(%dma_start3A_283 : memref<100352x16xf32, #tpu.memory_space<vmem_shared>>) offsets(%dma_start3A_280 : memref<128xi32, #tpu.memory_space<vmem>>) semaphore(%arg23 : memref<!tpu.dma_semaphore, #tpu.memory_space<semaphore_mem>>) {add = true}
      }
      %scan3A_168 = arith.constant 8 : i32
    }
    %scan3A_111 = arith.constant 98 : i32
    %dma_wait3A = arith.constant 0 : i32
    %dma_wait3A_112 = arith.constant 0 : i32
    %dma_wait3A_113 = tpu.memref_slice %arg10[%dma_wait3A, %dma_wait3A_112] : memref<16x128xi32, #tpu.memory_space<vmem>> -> memref<1x128xi32, #tpu.memory_space<vmem>>
    %dma_wait3A_114 = tpu.memref_squeeze %dma_wait3A_113 : memref<1x128xi32, #tpu.memory_space<vmem>> -> memref<128xi32, #tpu.memory_space<vmem>>
    %dma_wait3A_115 = arith.constant 0 : i32
    %dma_wait3A_116 = arith.constant 0 : i32
    %dma_wait3A_117 = tpu.memref_slice %arg17[%dma_wait3A_115, %dma_wait3A_116] : memref<100352x16xf32, #tpu.memory_space<vmem_shared>> -> memref<100352x16xf32, #tpu.memory_space<vmem_shared>>
    tpu.wait_indirect_dma semaphore(%arg22 : memref<!tpu.dma_semaphore, #tpu.memory_space<semaphore_mem>>) src(%arg13 : memref<128x16xf32, #tpu.memory_space<vmem>>) dst(%dma_wait3A_117 : memref<100352x16xf32, #tpu.memory_space<vmem_shared>>)
    %dma_wait3A_118 = arith.constant 0 : i32
    %dma_wait3A_119 = arith.constant 0 : i32
    %dma_wait3A_120 = tpu.memref_slice %arg10[%dma_wait3A_118, %dma_wait3A_119] : memref<16x128xi32, #tpu.memory_space<vmem>> -> memref<1x128xi32, #tpu.memory_space<vmem>>
    %dma_wait3A_121 = tpu.memref_squeeze %dma_wait3A_120 : memref<1x128xi32, #tpu.memory_space<vmem>> -> memref<128xi32, #tpu.memory_space<vmem>>
    %dma_wait3A_122 = arith.constant 0 : i32
    %dma_wait3A_123 = arith.constant 0 : i32
    %dma_wait3A_124 = tpu.memref_slice %arg17[%dma_wait3A_122, %dma_wait3A_123] : memref<100352x16xf32, #tpu.memory_space<vmem_shared>> -> memref<100352x16xf32, #tpu.memory_space<vmem_shared>>
    tpu.wait_indirect_dma semaphore(%arg23 : memref<!tpu.dma_semaphore, #tpu.memory_space<semaphore_mem>>) src(%arg14 : memref<128x16xf32, #tpu.memory_space<vmem>>) dst(%dma_wait3A_124 : memref<100352x16xf32, #tpu.memory_space<vmem_shared>>)
    %barrier3A_125 = arith.constant 0 : index
    tpu.barrier barrier_id(%barrier3A_125)
    %scan3A_126 = arith.constant 0 : i32
    %scan3A_127 = arith.constant 49 : i32
    %scan3A_128 = arith.addi %scan3A_126, %scan3A_127 : i32
    %scan3A_129 = arith.constant 1 : i32
    scf.for %scan3A_131 = %scan3A_126 to %scan3A_128 step %scan3A_129  : i32 {
      %mul3A_132 = arith.constant 1 : i32
      %mul3A_133 = arith.muli %scan3A_131, %mul3A_132 : i32
      %add3A_134 = arith.constant 0 : i32
      %add3A_135 = arith.addi %add3A_134, %mul3A_133 : i32
      %mul3A_136 = arith.constant 6272 : i32
      %mul3A_137 = arith.muli %arg1, %mul3A_136 : i32
      %mul3A_138 = arith.constant 128 : i32
      %mul3A_139 = arith.muli %add3A_135, %mul3A_138 : i32
      %add3A_140 = arith.addi %mul3A_137, %mul3A_139 : i32
      "tpu.region"() ({
        %run_scoped3A = tpu.sem_alloc : memref<!tpu.dma_semaphore, #tpu.memory_space<semaphore_mem>>
        %dma_start3A = arith.constant 0 : i32
        %dma_start3A_141 = tpu.memref_slice %arg17[%add3A_140, %dma_start3A] : memref<100352x16xf32, #tpu.memory_space<vmem_shared>> -> memref<128x16xf32, #tpu.memory_space<vmem_shared>>
        %dma_start3A_142 = arith.constant 0 : i32
        %dma_start3A_143 = tpu.memref_slice %arg17[%add3A_140, %dma_start3A_142] : memref<100352x16xf32, #tpu.memory_space<vmem_shared>> -> memref<128x16xf32, #tpu.memory_space<vmem_shared>>
        tpu.enqueue_dma source(%dma_start3A_143 : memref<128x16xf32, #tpu.memory_space<vmem_shared>>) target(%arg13 : memref<128x16xf32, #tpu.memory_space<vmem>>) target_semaphore(%run_scoped3A : memref<!tpu.dma_semaphore, #tpu.memory_space<semaphore_mem>>)
        %dma_wait3A_144 = arith.constant 0 : i32
        %dma_wait3A_145 = tpu.memref_slice %arg17[%add3A_140, %dma_wait3A_144] : memref<100352x16xf32, #tpu.memory_space<vmem_shared>> -> memref<128x16xf32, #tpu.memory_space<vmem_shared>>
        %dma_wait3A_146 = arith.constant 0 : i32
        %dma_wait3A_147 = tpu.memref_slice %arg17[%add3A_140, %dma_wait3A_146] : memref<100352x16xf32, #tpu.memory_space<vmem_shared>> -> memref<128x16xf32, #tpu.memory_space<vmem_shared>>
        tpu.wait_dma2 semaphore(%run_scoped3A : memref<!tpu.dma_semaphore, #tpu.memory_space<semaphore_mem>>) src(%dma_wait3A_147 : memref<128x16xf32, #tpu.memory_space<vmem_shared>>) dst(%arg13 : memref<128x16xf32, #tpu.memory_space<vmem>>)
        tpu.yield
      }) : () -> ()
      "tpu.region"() ({
        %run_scoped3A = tpu.sem_alloc : memref<!tpu.dma_semaphore, #tpu.memory_space<semaphore_mem>>
        %dma_start3A = arith.constant 0 : i32
        %dma_start3A_141 = tpu.memref_slice %arg8[%arg0, %add3A_140, %dma_start3A] : memref<2x100352x16xf32, #tpu.memory_space<hbm>> -> memref<1x128x16xf32, #tpu.memory_space<hbm>>
        %dma_start3A_142 = tpu.memref_squeeze %dma_start3A_141 : memref<1x128x16xf32, #tpu.memory_space<hbm>> -> memref<128x16xf32, #tpu.memory_space<hbm>>
        %dma_start3A_143 = arith.constant 0 : i32
        %dma_start3A_144 = tpu.memref_slice %arg8[%arg0, %add3A_140, %dma_start3A_143] : memref<2x100352x16xf32, #tpu.memory_space<hbm>> -> memref<1x128x16xf32, #tpu.memory_space<hbm>>
        %dma_start3A_145 = tpu.memref_squeeze %dma_start3A_144 : memref<1x128x16xf32, #tpu.memory_space<hbm>> -> memref<128x16xf32, #tpu.memory_space<hbm>>
        tpu.enqueue_dma source(%arg13 : memref<128x16xf32, #tpu.memory_space<vmem>>) target(%dma_start3A_145 : memref<128x16xf32, #tpu.memory_space<hbm>>) target_semaphore(%run_scoped3A : memref<!tpu.dma_semaphore, #tpu.memory_space<semaphore_mem>>)
        %dma_wait3A_146 = arith.constant 0 : i32
        %dma_wait3A_147 = tpu.memref_slice %arg8[%arg0, %add3A_140, %dma_wait3A_146] : memref<2x100352x16xf32, #tpu.memory_space<hbm>> -> memref<1x128x16xf32, #tpu.memory_space<hbm>>
        %dma_wait3A_148 = tpu.memref_squeeze %dma_wait3A_147 : memref<1x128x16xf32, #tpu.memory_space<hbm>> -> memref<128x16xf32, #tpu.memory_space<hbm>>
        %dma_wait3A_149 = arith.constant 0 : i32
        %dma_wait3A_150 = tpu.memref_slice %arg8[%arg0, %add3A_140, %dma_wait3A_149] : memref<2x100352x16xf32, #tpu.memory_space<hbm>> -> memref<1x128x16xf32, #tpu.memory_space<hbm>>
        %dma_wait3A_151 = tpu.memref_squeeze %dma_wait3A_150 : memref<1x128x16xf32, #tpu.memory_space<hbm>> -> memref<128x16xf32, #tpu.memory_space<hbm>>
        tpu.wait_dma2 semaphore(%run_scoped3A : memref<!tpu.dma_semaphore, #tpu.memory_space<semaphore_mem>>) src(%arg13 : memref<128x16xf32, #tpu.memory_space<vmem>>) dst(%dma_wait3A_151 : memref<128x16xf32, #tpu.memory_space<hbm>>)
        tpu.yield
      }) : () -> ()
    }
    %scan3A_130 = arith.constant 49 : i32
    return
  }
}

module attributes {stable_mosaic.version = 14 : i64} {
  func.func @_tables_body(%arg0: i32, %arg1: memref<2048x2xf32, #tpu.memory_space<vmem>>, %arg2: memref<2048x1xi32, #tpu.memory_space<vmem>>, %arg3: memref<2048x2xf32, #tpu.memory_space<vmem>>, %arg4: memref<11x16xf32, #tpu.memory_space<vmem>>, %arg5: memref<11x16xf32, #tpu.memory_space<vmem>>, %arg6: memref<2x16xf32, #tpu.memory_space<vmem>>, %arg7: memref<1x16xf32, #tpu.memory_space<vmem>>, %arg8: memref<2048x24xf32, #tpu.memory_space<vmem>>, %arg9: memref<2048x24xf32, #tpu.memory_space<vmem>>) attributes {dimension_semantics = [#tpu.dimension_semantics<arbitrary>], iteration_bounds = array<i64: 50>, scalar_prefetch = 0 : i64, scratch_operands = 0 : i64, tpu.core_type = #tpu.core_type<tc>, window_params = [{transform_indices = @transform_0, window_bounds = array<i64: 2048, 2>}, {transform_indices = @transform_1, window_bounds = array<i64: 2048, 1>}, {transform_indices = @transform_2, window_bounds = array<i64: 2048, 2>}, {pipeline_mode = #tpu.pipeline_mode<synchronous>, transform_indices = @transform_3, window_bounds = array<i64: 11, 16>}, {pipeline_mode = #tpu.pipeline_mode<synchronous>, transform_indices = @transform_4, window_bounds = array<i64: 11, 16>}, {pipeline_mode = #tpu.pipeline_mode<synchronous>, transform_indices = @transform_5, window_bounds = array<i64: 2, 16>}, {pipeline_mode = #tpu.pipeline_mode<synchronous>, transform_indices = @transform_6, window_bounds = array<i64: 1, 16>}, {transform_indices = @transform_7, window_bounds = array<i64: 2048, 24>}, {transform_indices = @transform_8, window_bounds = array<i64: 2048, 24>}]} {
    %get3A = arith.constant 0 : index
    %get3A_0 = arith.constant 0 : index
    %get3A_1 = vector.load %arg1[%get3A, %get3A_0] : memref<2048x2xf32, #tpu.memory_space<vmem>>, vector<2048x2xf32>
    %get3A_2 = arith.constant 0 : index
    %get3A_3 = arith.constant 0 : index
    %get3A_4 = vector.load %arg2[%get3A_2, %get3A_3] : memref<2048x1xi32, #tpu.memory_space<vmem>>, vector<2048x1xi32>
    %iota3A = tpu.iota {dimensions = array<i32: 1>} : vector<2048x9xi32>
    %eq3A = vector.broadcast %get3A_4 : vector<2048x1xi32> to vector<2048x9xi32>
    %eq3A_5 = arith.cmpi eq, %eq3A, %iota3A : vector<2048x9xi32>
    %convert_element_type3A = arith.extui %eq3A_5 : vector<2048x9xi1> to vector<2048x9xi32>
    %convert_element_type3A_6 = arith.sitofp %convert_element_type3A : vector<2048x9xi32> to vector<2048x9xf32>
    %concatenate3A = tpu.concatenate %get3A_1, %convert_element_type3A_6 in 1 : vector<2048x2xf32>, vector<2048x9xf32> -> vector<2048x11xf32>
    %get3A_7 = arith.constant 0 : index
    %get3A_8 = arith.constant 0 : index
    %get3A_9 = vector.load %arg3[%get3A_7, %get3A_8] : memref<2048x2xf32, #tpu.memory_space<vmem>>, vector<2048x2xf32>
    %get3A_10 = arith.constant 0 : index
    %get3A_11 = arith.constant 0 : index
    %get3A_12 = vector.load %arg6[%get3A_10, %get3A_11] : memref<2x16xf32, #tpu.memory_space<vmem>>, vector<2x16xf32>
    %dot_general3A = arith.constant dense<0.000000e+00> : vector<2048x16xf32>
    %dot_general3A_13 = tpu.matmul %get3A_9, %get3A_12, %dot_general3A {dimension_numbers = #tpu.dot_dimension_numbers<[1], [0], [0], [1], [0, 0, 1, 1], [], []>, transpose_lhs_hint = false} : vector<2048x2xf32>, vector<2x16xf32>, vector<2048x16xf32> -> vector<2048x16xf32>
    %get3A_14 = arith.constant 0 : index
    %get3A_15 = arith.constant 0 : index
    %get3A_16 = vector.load %arg4[%get3A_14, %get3A_15] : memref<11x16xf32, #tpu.memory_space<vmem>>, vector<11x16xf32>
    %dot_general3A_17 = arith.constant dense<0.000000e+00> : vector<2048x16xf32>
    %dot_general3A_18 = tpu.matmul %concatenate3A, %get3A_16, %dot_general3A_17 {dimension_numbers = #tpu.dot_dimension_numbers<[1], [0], [0], [1], [0, 0, 1, 1], [], []>, transpose_lhs_hint = false} : vector<2048x11xf32>, vector<11x16xf32>, vector<2048x16xf32> -> vector<2048x16xf32>
    %add3A = arith.addf %dot_general3A_18, %dot_general3A_13 : vector<2048x16xf32>
    %get3A_19 = arith.constant 0 : index
    %get3A_20 = arith.constant 0 : index
    %get3A_21 = vector.load %arg7[%get3A_19, %get3A_20] : memref<1x16xf32, #tpu.memory_space<vmem>>, vector<1x16xf32>
    %add3A_22 = vector.broadcast %get3A_21 : vector<1x16xf32> to vector<2048x16xf32>
    %add3A_23 = arith.addf %add3A, %add3A_22 : vector<2048x16xf32>
    %get3A_24 = arith.constant 0 : index
    %get3A_25 = arith.constant 0 : index
    %get3A_26 = vector.load %arg5[%get3A_24, %get3A_25] : memref<11x16xf32, #tpu.memory_space<vmem>>, vector<11x16xf32>
    %dot_general3A_27 = arith.constant dense<0.000000e+00> : vector<2048x16xf32>
    %dot_general3A_28 = tpu.matmul %concatenate3A, %get3A_26, %dot_general3A_27 {dimension_numbers = #tpu.dot_dimension_numbers<[1], [0], [0], [1], [0, 0, 1, 1], [], []>, transpose_lhs_hint = false} : vector<2048x11xf32>, vector<11x16xf32>, vector<2048x16xf32> -> vector<2048x16xf32>
    %sub3A = arith.subf %dot_general3A_28, %dot_general3A_13 : vector<2048x16xf32>
    %tile3A = tpu.concatenate %get3A_9, %get3A_9, %get3A_9, %get3A_9 in 1 : vector<2048x2xf32>, vector<2048x2xf32>, vector<2048x2xf32>, vector<2048x2xf32> -> vector<2048x8xf32>
    %concatenate3A_29 = tpu.concatenate %add3A_23, %tile3A in 1 : vector<2048x16xf32>, vector<2048x8xf32> -> vector<2048x24xf32>
    %swap3A = arith.constant 0 : index
    %swap3A_30 = arith.constant 0 : index
    %swap3A_31 = vector.load %arg8[%swap3A, %swap3A_30] : memref<2048x24xf32, #tpu.memory_space<vmem>>, vector<2048x24xf32>
    tpu.vector_store %arg8[%swap3A, %swap3A_30], %concatenate3A_29 {strides = array<i32>} : memref<2048x24xf32, #tpu.memory_space<vmem>>, vector<2048x24xf32>,
    %concatenate3A_32 = tpu.concatenate %sub3A, %tile3A in 1 : vector<2048x16xf32>, vector<2048x8xf32> -> vector<2048x24xf32>
    %swap3A_33 = arith.constant 0 : index
    %swap3A_34 = arith.constant 0 : index
    %swap3A_35 = vector.load %arg9[%swap3A_33, %swap3A_34] : memref<2048x24xf32, #tpu.memory_space<vmem>>, vector<2048x24xf32>
    tpu.vector_store %arg9[%swap3A_33, %swap3A_34], %concatenate3A_32 {strides = array<i32>} : memref<2048x24xf32, #tpu.memory_space<vmem>>, vector<2048x24xf32>,
    return
  }
  func.func @transform_0(%arg0: i32) -> (i32, i32) {
    %c0_i32 = arith.constant 0 : i32
    %c0_i32_0 = arith.constant 0 : i32
    return %arg0, %c0_i32 : i32, i32
  }
  func.func @transform_1(%arg0: i32) -> (i32, i32) {
    %c0_i32 = arith.constant 0 : i32
    %c0_i32_0 = arith.constant 0 : i32
    return %arg0, %c0_i32 : i32, i32
  }
  func.func @transform_2(%arg0: i32) -> (i32, i32) {
    %c0_i32 = arith.constant 0 : i32
    %c0_i32_0 = arith.constant 0 : i32
    return %arg0, %c0_i32 : i32, i32
  }
  func.func @transform_3(%arg0: i32) -> (i32, i32) {
    %c0_i32 = arith.constant 0 : i32
    %c0_i32_0 = arith.constant 0 : i32
    %c0_i32_1 = arith.constant 0 : i32
    return %c0_i32, %c0_i32_0 : i32, i32
  }
  func.func @transform_4(%arg0: i32) -> (i32, i32) {
    %c0_i32 = arith.constant 0 : i32
    %c0_i32_0 = arith.constant 0 : i32
    %c0_i32_1 = arith.constant 0 : i32
    return %c0_i32, %c0_i32_0 : i32, i32
  }
  func.func @transform_5(%arg0: i32) -> (i32, i32) {
    %c0_i32 = arith.constant 0 : i32
    %c0_i32_0 = arith.constant 0 : i32
    %c0_i32_1 = arith.constant 0 : i32
    return %c0_i32, %c0_i32_0 : i32, i32
  }
  func.func @transform_6(%arg0: i32) -> (i32, i32) {
    %c0_i32 = arith.constant 0 : i32
    %c0_i32_0 = arith.constant 0 : i32
    %c0_i32_1 = arith.constant 0 : i32
    return %c0_i32, %c0_i32_0 : i32, i32
  }
  func.func @transform_7(%arg0: i32) -> (i32, i32) {
    %c0_i32 = arith.constant 0 : i32
    %c0_i32_0 = arith.constant 0 : i32
    return %arg0, %c0_i32 : i32, i32
  }
  func.func @transform_8(%arg0: i32) -> (i32, i32) {
    %c0_i32 = arith.constant 0 : i32
    %c0_i32_0 = arith.constant 0 : i32
    return %arg0, %c0_i32 : i32, i32
  }
}

module attributes {stable_mosaic.version = 14 : i64} {
  func.func @_node_body(%arg0: i32, %arg1: memref<2048x2xf32, #tpu.memory_space<vmem>>, %arg2: memref<2048x1xi32, #tpu.memory_space<vmem>>, %arg3: memref<2048x16xf32, #tpu.memory_space<vmem>>, %arg4: memref<2048x16xf32, #tpu.memory_space<vmem>>, %arg5: memref<2048x2xf32, #tpu.memory_space<vmem>>, %arg6: memref<11x16xf32, #tpu.memory_space<vmem>>, %arg7: memref<16x16xf32, #tpu.memory_space<vmem>>, %arg8: memref<1x16xf32, #tpu.memory_space<vmem>>, %arg9: memref<16x2xf32, #tpu.memory_space<vmem>>, %arg10: memref<1x2xf32, #tpu.memory_space<vmem>>, %arg11: memref<2048x2xf32, #tpu.memory_space<vmem>>) attributes {dimension_semantics = [#tpu.dimension_semantics<arbitrary>], iteration_bounds = array<i64: 49>, scalar_prefetch = 0 : i64, scratch_operands = 0 : i64, tpu.core_type = #tpu.core_type<tc>, window_params = [{transform_indices = @transform_0, window_bounds = array<i64: 2048, 2>}, {transform_indices = @transform_1, window_bounds = array<i64: 2048, 1>}, {transform_indices = @transform_2, window_bounds = array<i64: 2048, 16>}, {transform_indices = @transform_3, window_bounds = array<i64: 2048, 16>}, {transform_indices = @transform_4, window_bounds = array<i64: 2048, 2>}, {pipeline_mode = #tpu.pipeline_mode<synchronous>, transform_indices = @transform_5, window_bounds = array<i64: 11, 16>}, {pipeline_mode = #tpu.pipeline_mode<synchronous>, transform_indices = @transform_6, window_bounds = array<i64: 16, 16>}, {pipeline_mode = #tpu.pipeline_mode<synchronous>, transform_indices = @transform_7, window_bounds = array<i64: 1, 16>}, {pipeline_mode = #tpu.pipeline_mode<synchronous>, transform_indices = @transform_8, window_bounds = array<i64: 16, 2>}, {pipeline_mode = #tpu.pipeline_mode<synchronous>, transform_indices = @transform_9, window_bounds = array<i64: 1, 2>}, {transform_indices = @transform_10, window_bounds = array<i64: 2048, 2>}]} {
    %get3A = arith.constant 0 : index
    %get3A_0 = arith.constant 0 : index
    %get3A_1 = vector.load %arg1[%get3A, %get3A_0] : memref<2048x2xf32, #tpu.memory_space<vmem>>, vector<2048x2xf32>
    %get3A_2 = arith.constant 0 : index
    %get3A_3 = arith.constant 0 : index
    %get3A_4 = vector.load %arg2[%get3A_2, %get3A_3] : memref<2048x1xi32, #tpu.memory_space<vmem>>, vector<2048x1xi32>
    %iota3A = tpu.iota {dimensions = array<i32: 1>} : vector<2048x9xi32>
    %eq3A = vector.broadcast %get3A_4 : vector<2048x1xi32> to vector<2048x9xi32>
    %eq3A_5 = arith.cmpi eq, %eq3A, %iota3A : vector<2048x9xi32>
    %convert_element_type3A = arith.extui %eq3A_5 : vector<2048x9xi1> to vector<2048x9xi32>
    %convert_element_type3A_6 = arith.sitofp %convert_element_type3A : vector<2048x9xi32> to vector<2048x9xf32>
    %concatenate3A = tpu.concatenate %get3A_1, %convert_element_type3A_6 in 1 : vector<2048x2xf32>, vector<2048x9xf32> -> vector<2048x11xf32>
    %get3A_7 = arith.constant 0 : index
    %get3A_8 = arith.constant 0 : index
    %get3A_9 = vector.load %arg3[%get3A_7, %get3A_8] : memref<2048x16xf32, #tpu.memory_space<vmem>>, vector<2048x16xf32>
    %get3A_10 = arith.constant 0 : index
    %get3A_11 = arith.constant 0 : index
    %get3A_12 = vector.load %arg4[%get3A_10, %get3A_11] : memref<2048x16xf32, #tpu.memory_space<vmem>>, vector<2048x16xf32>
    %add3A = arith.addf %get3A_9, %get3A_12 : vector<2048x16xf32>
    %get3A_13 = arith.constant 0 : index
    %get3A_14 = arith.constant 0 : index
    %get3A_15 = vector.load %arg6[%get3A_13, %get3A_14] : memref<11x16xf32, #tpu.memory_space<vmem>>, vector<11x16xf32>
    %dot_general3A = arith.constant dense<0.000000e+00> : vector<2048x16xf32>
    %dot_general3A_16 = tpu.matmul %concatenate3A, %get3A_15, %dot_general3A {dimension_numbers = #tpu.dot_dimension_numbers<[1], [0], [0], [1], [0, 0, 1, 1], [], []>, transpose_lhs_hint = false} : vector<2048x11xf32>, vector<11x16xf32>, vector<2048x16xf32> -> vector<2048x16xf32>
    %get3A_17 = arith.constant 0 : index
    %get3A_18 = arith.constant 0 : index
    %get3A_19 = vector.load %arg7[%get3A_17, %get3A_18] : memref<16x16xf32, #tpu.memory_space<vmem>>, vector<16x16xf32>
    %dot_general3A_20 = arith.constant dense<0.000000e+00> : vector<2048x16xf32>
    %dot_general3A_21 = tpu.matmul %add3A, %get3A_19, %dot_general3A_20 {dimension_numbers = #tpu.dot_dimension_numbers<[1], [0], [0], [1], [0, 0, 1, 1], [], []>, transpose_lhs_hint = false} : vector<2048x16xf32>, vector<16x16xf32>, vector<2048x16xf32> -> vector<2048x16xf32>
    %add3A_22 = arith.addf %dot_general3A_16, %dot_general3A_21 : vector<2048x16xf32>
    %get3A_23 = arith.constant 0 : index
    %get3A_24 = arith.constant 0 : index
    %get3A_25 = vector.load %arg8[%get3A_23, %get3A_24] : memref<1x16xf32, #tpu.memory_space<vmem>>, vector<1x16xf32>
    %add3A_26 = vector.broadcast %get3A_25 : vector<1x16xf32> to vector<2048x16xf32>
    %add3A_27 = arith.addf %add3A_22, %add3A_26 : vector<2048x16xf32>
    %max3A = arith.constant 0.000000e+00 : f32
    %max3A_28 = vector.broadcast %max3A : f32 to vector<2048x16xf32>
    %max3A_29 = arith.maximumf %add3A_27, %max3A_28 : vector<2048x16xf32>
    %get3A_30 = arith.constant 0 : index
    %get3A_31 = arith.constant 0 : index
    %get3A_32 = vector.load %arg9[%get3A_30, %get3A_31] : memref<16x2xf32, #tpu.memory_space<vmem>>, vector<16x2xf32>
    %dot_general3A_33 = arith.constant dense<0.000000e+00> : vector<2048x2xf32>
    %dot_general3A_34 = tpu.matmul %max3A_29, %get3A_32, %dot_general3A_33 {dimension_numbers = #tpu.dot_dimension_numbers<[1], [0], [0], [1], [0, 0, 1, 1], [], []>, transpose_lhs_hint = false} : vector<2048x16xf32>, vector<16x2xf32>, vector<2048x2xf32> -> vector<2048x2xf32>
    %get3A_35 = arith.constant 0 : index
    %get3A_36 = arith.constant 0 : index
    %get3A_37 = vector.load %arg10[%get3A_35, %get3A_36] : memref<1x2xf32, #tpu.memory_space<vmem>>, vector<1x2xf32>
    %add3A_38 = vector.broadcast %get3A_37 : vector<1x2xf32> to vector<2048x2xf32>
    %add3A_39 = arith.addf %dot_general3A_34, %add3A_38 : vector<2048x2xf32>
    %get3A_40 = arith.constant 0 : index
    %get3A_41 = arith.constant 0 : index
    %get3A_42 = vector.load %arg5[%get3A_40, %get3A_41] : memref<2048x2xf32, #tpu.memory_space<vmem>>, vector<2048x2xf32>
    %add3A_43 = arith.addf %add3A_39, %get3A_42 : vector<2048x2xf32>
    %swap3A = arith.constant 0 : index
    %swap3A_44 = arith.constant 0 : index
    %swap3A_45 = vector.load %arg11[%swap3A, %swap3A_44] : memref<2048x2xf32, #tpu.memory_space<vmem>>, vector<2048x2xf32>
    tpu.vector_store %arg11[%swap3A, %swap3A_44], %add3A_43 {strides = array<i32>} : memref<2048x2xf32, #tpu.memory_space<vmem>>, vector<2048x2xf32>,
    return
  }
  func.func @transform_0(%arg0: i32) -> (i32, i32) {
    %c0_i32 = arith.constant 0 : i32
    %c0_i32_0 = arith.constant 0 : i32
    return %arg0, %c0_i32 : i32, i32
  }
  func.func @transform_1(%arg0: i32) -> (i32, i32) {
    %c0_i32 = arith.constant 0 : i32
    %c0_i32_0 = arith.constant 0 : i32
    return %arg0, %c0_i32 : i32, i32
  }
  func.func @transform_2(%arg0: i32) -> (i32, i32) {
    %c0_i32 = arith.constant 0 : i32
    %c0_i32_0 = arith.constant 0 : i32
    return %arg0, %c0_i32 : i32, i32
  }
  func.func @transform_3(%arg0: i32) -> (i32, i32) {
    %c0_i32 = arith.constant 0 : i32
    %c0_i32_0 = arith.constant 0 : i32
    return %arg0, %c0_i32 : i32, i32
  }
  func.func @transform_4(%arg0: i32) -> (i32, i32) {
    %c0_i32 = arith.constant 0 : i32
    %c0_i32_0 = arith.constant 0 : i32
    return %arg0, %c0_i32 : i32, i32
  }
  func.func @transform_5(%arg0: i32) -> (i32, i32) {
    %c0_i32 = arith.constant 0 : i32
    %c0_i32_0 = arith.constant 0 : i32
    %c0_i32_1 = arith.constant 0 : i32
    return %c0_i32, %c0_i32_0 : i32, i32
  }
  func.func @transform_6(%arg0: i32) -> (i32, i32) {
    %c0_i32 = arith.constant 0 : i32
    %c0_i32_0 = arith.constant 0 : i32
    %c0_i32_1 = arith.constant 0 : i32
    return %c0_i32, %c0_i32_0 : i32, i32
  }
  func.func @transform_7(%arg0: i32) -> (i32, i32) {
    %c0_i32 = arith.constant 0 : i32
    %c0_i32_0 = arith.constant 0 : i32
    %c0_i32_1 = arith.constant 0 : i32
    return %c0_i32, %c0_i32_0 : i32, i32
  }
  func.func @transform_8(%arg0: i32) -> (i32, i32) {
    %c0_i32 = arith.constant 0 : i32
    %c0_i32_0 = arith.constant 0 : i32
    %c0_i32_1 = arith.constant 0 : i32
    return %c0_i32, %c0_i32_0 : i32, i32
  }
  func.func @transform_9(%arg0: i32) -> (i32, i32) {
    %c0_i32 = arith.constant 0 : i32
    %c0_i32_0 = arith.constant 0 : i32
    %c0_i32_1 = arith.constant 0 : i32
    return %c0_i32, %c0_i32_0 : i32, i32
  }
  func.func @transform_10(%arg0: i32) -> (i32, i32) {
    %c0_i32 = arith.constant 0 : i32
    %c0_i32_0 = arith.constant 0 : i32
    return %arg0, %c0_i32 : i32, i32
  }
}

</mosaic_0001>

<sc_bundles>
// kernel: kernel.5.cloned.1.call-start
scs
__scs_entry_jumppad:
0x0: {  	(pc) =	sbr.rel $0x88, $3  }
0x1: {  	(tag) =	ssettag $0x0;
	lr =	simm.s32 $0x1  }
0x2: {  	[smem:$0x3F94] =	sst lr;
	_ =	strace $0xD0000000  }
0x3: {  	_ = 	snop  }
0x4: {  	_ = 	snop  }
0x5: {  	_ = 	snop  }
0x6: {  	_ = 	snop  }
0x7: {  	_ = 	snop  }
__scs_overlays_trampoline_lowered:
0x8: {  	[smem:$0x3FA3] =	sst s0  }
0x9: {  	[smem:$0x3FA4] =	sst s1  }
0xa: {  	[smem:$0x3FA5] =	sst s2  }
0xb: {  	[smem:$0x3FA6] =	sst s3  }
0xc: {  	[smem:$0x3FA7] =	sst s4  }
0xd: {  	[smem:$0x3FA8] =	sst s5  }
0xe: {  	[smem:$0x3FA9] =	sst s6  }
0xf: {  	[smem:$0x3FAA] =	sst s7  }
0x10: {  	[smem:$0x3FAB] =	sst s8  }
0x11: {  	[smem:$0x3FAC] =	sst s9;
	s0 =	simm.s32 @!p0 $0x0  }
0x12: {  	s1 =	sld [smem:$0x3F92];
	s0 =	simm.s32 @p0 $0x1  }
0x13: {  	[smem:$0x3FAD] =	sst s0;
	s0 =	simm.s32 @!p1 $0x0  }
0x14: {  	s2 =	sld [smem:$0x3F91];
	s0 =	simm.s32 @p1 $0x1  }
0x15: {  	[smem:$0x3FAE] =	sst s0;
	s0 =	simm.s32 @!p2 $0x0  }
0x16: {  	s3 =	sld [smem:$0x3FDB];
	s0 =	simm.s32 @p2 $0x1  }
0x17: {  	s4 =	simm.s32 $0x1BF5;
	[smem:$0x3FB0] =	sst s0  }
0x18: {  	s0 =	sld [smem:$0x3F93];
	_ =	swait.ge [sflag:s4], $0x0  }
0x19: {  	s7 =	sld [smem:$0x3F94]  }
0x1a: {  	s8 =	sadd.s32 $0xFFFFE003, lr  }
0x1b: {  	s9 =	sadd.s32 $0xFFFFFEF7, lr;
	s5 =	simm.s32 $0xFFFFFFFF;
	p2 =	slt.u32 s8, $0xFFFFF086  }
0x1c: {  	p1 =	slt.u32 s9, $0xF7A;
	s5 =	simm.s32 @!p2 $0x0  }
0x1d: {  	s5 =	simm.s32 @p1 $0x1;
	p0 =	seq.s32 s7, s2  }
0x1e: {  	s7 =	smul.u32 @!p0 $0xF7A, s2;
	p2 =	seq.s32 @!p0 s5, $0x0  }
0x1f: {  	s9 =	smul.u32 $0xF7A, s1;
	s8 =	simm.s32 @!p0 $0x1BF5;
	p2 =	por !p2, p0  }
0x20: {  	[sflag:s8] =	ssyncset.s32 @!p0 $0xFFFFF086;
	s6 =	sadd.s32 @!p0 s3, s7;
	s7 =	simm.s32 @!p0 $0x108  }
0x21: {  	s3 =	sadd.s32 s3, s9;
	s6 =	sadd.s32 @!p0 $0x88, s6;
	s7 =	simm.s32 @p2 $0x1082  }
0x22: {  	[simem:s7], [sflag:s8] =	dma.local @!p0 [hbm:s6], $0xF7A  }
0x23: {  	s9 =	sor.u32 $0xD0000000, s2;
	s6 =	simm.s32 $0x108;
	_ =	swait.ge @!p0 [sflag:s8], $0x0  }
0x24: {  	s3 =	sadd.s32 $0x88, s3;
	s6 =	simm.s32 @!p1 $0x1082;
	[sflag:s4] =	ssyncset.s32 $0xFFFFF086  }
0x25: {  	[simem:s6], [sflag:s4] =	dma.local [hbm:s3], $0xF7A  }
0x26: {  	[smem:$0x3F94] =	sst s1;
	(tag) =	ssettag s2;
	_ =	strace s9  }
0x27: {  	s1 =	sld [smem:$0x3FA4]  }
0x28: {  	s2 =	sld [smem:$0x3FA5]  }
0x29: {  	s4 =	sld [smem:$0x3FA7]  }
0x2a: {  	p0 =	seq.s32 s5, $0x0;
	s5 =	sld [smem:$0x3FA8]  }
0x2b: {  	s6 =	sld [smem:$0x3FA9]  }
0x2c: {  	s7 =	sld [smem:$0x3FAA]  }
0x2d: {  	s3 =	simm.s32 $0x108;
	s8 =	sld [smem:$0x3FAB]  }
0x2e: {  	s3 =	simm.s32 @!p0 $0x1082;
	s9 =	sld [smem:$0x3FAC]  }
0x2f: {  	lr =	sadd.s32 s0, s3;
	s0 =	sld [smem:$0x3FA3]  }
0x30: {  	s3 =	sld [smem:$0x3FA6]  }
0x31: {  	[smem:$0x3FAF] =	sst s10  }
0x32: {  	s10 =	sld [smem:$0x3FAD];
	_ =	sdelay $0x3  }
0x33: {  	p0 =	seq.s32 s10, $0x1;
	s10 =	sld [smem:$0x3FAF];
	_ =	sdelay $0x3  }
0x34: {  	[smem:$0x3FAF] =	sst s10  }
0x35: {  	s10 =	sld [smem:$0x3FAE];
	_ =	sdelay $0x3  }
0x36: {  	p1 =	seq.s32 s10, $0x1;
	s10 =	sld [smem:$0x3FAF];
	_ =	sdelay $0x3  }
0x37: {  	[smem:$0x3FAF] =	sst s10  }
0x38: {  	s10 =	sld [smem:$0x3FB0]  }
0x39: {  	_ = 	snop;
	(pc) =	sbr.ind lr, $3  }
0x3a: {  	_ = 	snop  }
0x3b: {  	_ = 	snop  }
0x3c: {  	p2 =	seq.s32 s10, $0x1;
	s10 =	sld [smem:$0x3FAF]  }
0x3d: {  	_ =	shalt  }
0x3e: {  	_ =	shalt  }
0x3f: {  	_ =	shalt  }
0x40: {  	_ =	shalt  }
0x41: {  	_ =	shalt  }
0x42: {  	_ =	shalt  }
0x43: {  	_ =	shalt  }
0x44: {  	_ =	shalt  }
0x45: {  	_ =	shalt  }
0x46: {  	_ =	shalt  }
0x47: {  	_ =	shalt  }
0x48: {  	_ =	shalt  }
0x49: {  	_ =	shalt  }
0x4a: {  	_ =	shalt  }
0x4b: {  	_ =	shalt  }
0x4c: {  	_ =	shalt  }
0x4d: {  	_ =	shalt  }
0x4e: {  	_ =	shalt  }
0x4f: {  	_ =	shalt  }
0x50: {  	_ =	shalt  }
0x51: {  	_ =	shalt  }
0x52: {  	_ =	shalt  }
0x53: {  	_ =	shalt  }
0x54: {  	_ =	shalt  }
0x55: {  	_ =	shalt  }
0x56: {  	_ =	shalt  }
0x57: {  	_ =	shalt  }
0x58: {  	_ =	shalt  }
0x59: {  	_ =	shalt  }
0x5a: {  	_ =	shalt  }
0x5b: {  	_ =	shalt  }
0x5c: {  	_ =	shalt  }
0x5d: {  	_ =	shalt  }
0x5e: {  	_ =	shalt  }
0x5f: {  	_ =	shalt  }
0x60: {  	_ =	shalt  }
0x61: {  	_ =	shalt  }
0x62: {  	_ =	shalt  }
0x63: {  	_ =	shalt  }
0x64: {  	_ =	shalt  }
0x65: {  	_ =	shalt  }
0x66: {  	_ =	shalt  }
0x67: {  	_ =	shalt  }
0x68: {  	_ =	shalt  }
0x69: {  	_ =	shalt  }
0x6a: {  	_ =	shalt  }
0x6b: {  	_ =	shalt  }
0x6c: {  	_ =	shalt  }
0x6d: {  	_ =	shalt  }
0x6e: {  	_ =	shalt  }
0x6f: {  	_ =	shalt  }
0x70: {  	_ =	shalt  }
0x71: {  	_ =	shalt  }
0x72: {  	_ =	shalt  }
0x73: {  	_ =	shalt  }
0x74: {  	_ =	shalt  }
0x75: {  	_ =	shalt  }
0x76: {  	_ =	shalt  }
0x77: {  	_ =	shalt  }
0x78: {  	_ =	shalt  }
0x79: {  	_ =	shalt  }
0x7a: {  	_ =	shalt  }
0x7b: {  	_ =	shalt  }
0x7c: {  	_ =	shalt  }
0x7d: {  	_ =	shalt  }
0x7e: {  	_ =	shalt  }
0x7f: {  	_ =	shalt  }
0x80: {  	_ =	shalt  }
0x81: {  	_ =	shalt  }
0x82: {  	_ =	shalt  }
0x83: {  	_ =	shalt  }
0x84: {  	_ =	shalt  }
0x85: {  	_ =	shalt  }
0x86: {  	_ =	shalt  }
0x87: {  	_ =	shalt  }
.Lfunc_end0:
.L_simem_size_0:
called_computation_lowered:
.L_overlay_start_0:
0x88: {  	s2 =	sld [smem:$0x3FD9]  }
0x89: {  	s3 =	sld [smem:$0x3FFE];
	_ =	sdelay $0x1  }
0x8a: {  	s1 =	srdreg.scid  }
0x8b: {  	s0 =	sand.u32 $0x1, s1  }
0x8c: {  	s17 =	sshll.u32 s0, $0xA;
	s2 =	sadd.s32 s3, s2  }
0x8d: {  	s2 =	sadd.s32 s2, s17  }
0x8e: {  	[smem:$0x3FBB] =	sst s2  }
0x8f: {  	_ = 	snop  }
0x90: {  	s2 =	sld [smem:$0x3FD0];
	(tm) =	ssettm $0x1  }
0x91: {  	s18 =	sld [smem:$0x3FFB];
	_ =	sdelay $0x3  }
0x92: {  	_ =	strace s18  }
0x93: {  	s3 =	sld [smem:$0x3FFC];
	_ =	sdelay $0x3  }
0x94: {  	_ =	strace s3  }
0x95: {  	s3 =	sld [smem:$0x3FFD];
	_ =	sdelay $0x3  }
0x96: {  	_ =	strace s3  }
0x97: {  	_ =	strace $0x8FFFFFFF  }
0x98: {  	s19 =	sld [smem:$0x3FDB];
	_ =	sdelay $0x1  }
0x99: {  	s4 =	simm.s32 $_scs_section_size  }
0x9a: {  	s5 =	simm.s32 $_size__tile_overlayer_lowered;
	s6 =	simm.s32 $_tile_overlayer_lowered  }
0x9b: {  	s22 =	simm.s32 $0x1BFF;
	s21 =	sshll.u32 s6, $0x1;
	s3 =	sadd.s32 s4, s19  }
0x9c: {  	s7 =	simm.s32 $0x0;
	s20 =	sshll.u32 s5, $0x1;
	s5 =	sadd.s32 s21, s3  }
0x9d: {  	[timem:s7], [sflag:s22] =	dma.local [hbm:s5], s20  }
0x9e: {  	_ =	swait.ge [sflag:s22], s20  }
0x9f: {  	s4 =	ssub.s32 $0x0, s20;
	[sflag:s22] =	ssyncset.done $0x0  }
0xa0: {  	[sflag:s22] =	ssyncadd.s32 s4;
	_ =	sdelay $0x1  }
0xa1: {  	s23 =	simm.s32 $0x1B8B  }
0xa2: {  	_ =	swait.ge [sflag:s23], $0x1  }
0xa3: {  	[sflag:s23] =	ssyncset.done $0x0  }
0xa4: {  	s25 =	simm.s32 $0x1B8E;
	s24 =	sld [smem:$0x3FFE];
	[sflag:s23] =	ssyncadd.s32 $0xFFFFFFFF  }
0xa5: {  	s26 =	simm.s32 $execute0_lowered;
	[smem:$0x3FD2] =	sst s25  }
0xa6: {  	s5 =	sshll.u32 s26, $0x1;
	_ =	strace $0x80000046;
	[dreg:$0x1] =	wrdreg $0xFFFFFFFF  }
0xa7: {  	s28 =	simm.s32 $_size_execute0_lowered;
	s3 =	sadd.s32 s3, s5;
	[dreg:$0x0] =	wrdreg $0x0  }
0xa8: {  	s5 =	sshll.u32 s28, $0x1;
	[dreg:$0x2] =	wrdreg s3  }
0xa9: {  	[dreg:$0x3] =	wrdreg s5  }
0xaa: {  	[dreg:$0x4] =	wrdreg $0xC0  }
0xab: {  	_ =	task [dreg:s7], $0x5FFFF  }
0xac: {  	[dreg:$0x1] =	wrdreg $0xFFFFFFFF  }
0xad: {  	[dreg:$0x0] =	wrdreg $0x60  }
0xae: {  	[dreg:$0x2] =	wrdreg s24  }
0xaf: {  	[dreg:$0x3] =	wrdreg s2  }
0xb0: {  	[dreg:$0x4] =	wrdreg $0x51200  }
0xb1: {  	[dreg:$0x5] =	wrdreg $0x9  }
0xb2: {  	_ =	task.clear_ibuf [dreg:s7], $0x6FFFF;
	_ =	strace $0x90000046  }
0xb3: {  	s29 =	simm.s32 $0x9;
	_ =	strace $0x80000048  }
0xb4: {  	_ =	swait.ge [sflag:s29], $0x1  }
0xb5: {  	[sflag:s29] =	ssyncadd.s32 $0xFFFFFFFF  }
0xb6: {  	_ =	strace $0x90000048  }
0xb7: {  	_ =	sfence  }
0xb8: {  	s30 =	sld [smem:$0x0];
	_ =	sdelay $0x2  }
0xb9: {  	s31 =	sshll.u32 s1, $0xD;
	s1 =	sshrl.u32 s1, $0x2  }
0xba: {  	s3 =	sand.u32 $0x4000, s31;
	s1 =	sadd.s32 s1, s30  }
0xbb: {  	s0 =	sor.u32 s3, s0;
	s1 =	sshll.u32 s1, $0x11  }
0xbc: {  	s0 =	sor.u32 s1, s0  }
0xbd: {  	s0 =	sadd.s32 $0x8F2B, s0  }
0xbe: {  	[sflag:s0] =	ssyncadd.remote.s32 $0x1  }
0xbf: {  	_ =	sfence.sel $0xFFFF  }
0xc0: {  	[dreg:$0x0] =	wrdreg $0xFFFFFFFF;
	(pc) =	sbr.abs _section_cstart, $3  }
0xc1: {  	[dreg:$0x1] =	wrdreg $0xFFFFFFFF  }
0xc2: {  	_ =	task.clear_ibuf [dreg:s7], $0x2FFFF;
	_ =	strace $0x9FFFFFFF  }
0xc3: {  	(tm) =	ssettm $0x7FFFFFFF  }
tec
execute0_lowered:
.L_overlay_start_1:
0x0: {  	(tag) =	ssettag $0x1  }
0x1: {  	s0 =	rddreg [dreg:$0x0]  }
0x2: {  	s3 =	rddreg [dreg:$0x2];
	s4 =	simm.s32 $0x0;
	s1 =	srdreg.scid  }
0x3: {  	s11 =	stileid.u32;
	s15 =	simm.s32 $0x7;
	s17 =	simm.s32 $0x4000  }
0x4: {  	s18 =	simm.s32 $0x800;
	s19 =	simm.s32 $0x80;
	s22 =	simm.s32 $0x1C00  }
0x5: {  	s23 =	simm.s32 $0x3400;
	s24 =	simm.s32 $0x1;
	s25 =	simm.s32 $0x3  }
0x6: {  	s29 =	simm.s32 $0x4800;
	[smem:$0x7FF] =	sst s4;
	s2 =	smul.u32 $0x18800, s11  }
0x7: {  	v0 =	vimm.s32 $0xEFCDAB89;
	s28 =	simm.s32 $0x4;
	s5 =	sadd.s32 $0x626200, s0;
	s6 =	sadd.s32 $0x6EA400, s0  }
0x8: {  	v1 =	vimm.s32 $0x67452301;
	v2 =	vimm.s32 $0x8;
	v3 =	vimm.s32 $0x1;
	s1 =	sand.u32 $0x1, s1;
	s7 =	sadd.s32 $0x36D400, s0;
	s9 =	smul.u32 $0x62000, s11  }
0x9: {  	v4 =	vimm.s32 $0x0;
	v0 =	vunpack.c.l.s4.s8 v0;
	v1 =	vunpack.c.l.s4.s8 v1;
	s10 =	sadd.s32 $0x6EA200, s0;
	s11 =	sshll.u32 s11, $0x1;
	s8 =	smul.u32 $0x188000, s1  }
0xa: {  	v5 =	vimm.s32 $0x2;
	v6 =	vimm.s32 $0x3;
	v7 =	vimm.s32 $0x4;
	_ =	strace $0x80000047;
	[dreg:$0x4] =	wrdreg s10;
	s26 =	ssub.s32 $0x2, s1  }
0xb: {  	v8 =	vimm.s32 $0x5;
	s1 =	sor.u32 s1, s11;
	v0 =	vunpack.c.0.s8.s32 v0;
	v1 =	vunpack.c.0.s8.s32 v1;
	s30 =	sshrl.u32 s26, $0x1;
	s2 =	sadd.s32 s2, s8  }
0xc: {  	v9 =	vimm.s32 $0x6;
	v10 =	vimm.s32 $0x7;
	v11 =	vimm.s32 $0x9;
	s9 =	sshrl.u32 s9, $0x2;
	s11 =	smul.u32 $0x31000, s1;
	s2 =	sshrl.u32 s2, $0x3  }
0xd: {  	v12 =	vimm.s32 $0xA;
	v13 =	vimm.s32 $0xB;
	s8 =	sadd.s32 $0x322400, s0;
	v1 =	vcombine.low v1, v0;
	s0 =	sadd.s32 s2, s0;
	s2 =	ssub.s32 s26, s30  }
0xe: {  	v14 =	vimm.s32 $0xC;
	v15 =	vimm.s32 $0xD;
	v16 =	vimm.s32 $0xE;
	s1 =	simm.s32 $0x0;
	s10 =	sadd.s32 s9, s3;
	s31 =	smax.u32 s2, $0x1  }
0xf: {  	v17 =	vimm.s32 $0xF;
	v0 =	vimm.f32 $0.0e+00;
	s26 =	simm.s32 $0x2;
	s13 =	sadd.s32 $0x3B8400, s0;
	v1 =	vand.u32 $0xF, v1;
	[dreg:$0x5] =	wrdreg s31  }
.LBB2_1:
0x10: {  	[dreg:$0x6] =	wrdreg s1  }
0x11: {  	s0 =	rddreg [dreg:$0x1];
	s21 =	simm.s32 $0x5000  }
0x12: {  	[tilespmem:s21], [sflag:$0x7] =	stream.linear.gather [hbm4b:s0+s4], $0x100, $0x38;
	[tilespmem:$0x1D920] =	vst v63  }
0x13: {  	_ =	swait.ge [sflag:s15], $0x100  }
0x14: {  	[sflag:s15] =	ssyncset.done $0x0  }
0x15: {  	s31 =	simm.s32 $0x5100;
	s30 =	rddreg [dreg:$0x4];
	[sflag:s15] =	ssyncadd.s32 $0xFFFFFF00  }
0x16: {  	[tilespmem:s31], [sflag:$0x7] =	stream.linear.gather [hbm4b:s30+s4], $0x20, $0x38;
	[tilespmem:$0x1D920] =	vst v63  }
0x17: {  	_ =	swait.ge [sflag:s15], $0x20  }
0x18: {  	[sflag:s15] =	ssyncset.done $0x0  }
0x19: {  	s0 =	simm.s32 $0x0;
	[sflag:s15] =	ssyncadd.s32 $0xFFFFFFE0  }
.LBB2_2:
0x1a: {  	p0 =	sne.s32 s0, $0x1FC0  }
.Ltmp0:
0x1b: {  	_ = 	snop;
	(pc) =	sbr.rel @p0 .LBB2_2-.Ltmp0, $3  }
0x1c: {  	_ =	sdelay $0x1  }
0x1d: {  	s1 =	sshra.s32 s0, $0x2  }
0x1e: {  	s0 =	sadd.s32 $0x40, s0;
	[tilespmem:s1+$0x4000] =	vst v0  }
0x1f: {  	s0 =	sadd.s32 $0x0, s10  }
0x20: {  	[spmem:s0] =	stream.linear.scatter [tilespmem:s17], [sflag:$0x7], $0x800, $0x38;
	[tilespmem:$0x1D920] =	vst v63  }
0x21: {  	s0 =	simm.s32 $0x2000;
	_ =	swait.ge [sflag:s15], $0x800  }
.LBB2_4:
0x22: {  	s1 =	sshra.s32 s0, $0x2;
	[sflag:s15] =	ssyncset.done $0x0;
	p0 =	sne.s32 s0, $0x60000  }
.Ltmp1:
0x23: {  	s1 =	sadd.s32 s1, s10;
	[sflag:s15] =	ssyncadd.s32 $0xFFFFF800;
	(pc) =	sbr.rel @p0 .LBB2_4-.Ltmp1, $3  }
0x24: {  	[spmem:s1] =	stream.linear.scatter [tilespmem:s17], [sflag:$0x7], $0x800, $0x38;
	[tilespmem:$0x1D920] =	vst v63  }
0x25: {  	s0 =	sadd.s32 $0x2000, s0;
	_ =	sdelay $0x1  }
0x26: {  	_ =	swait.ge [sflag:s15], $0x800  }
0x27: {  	[sflag:s15] =	ssyncset.done $0x0  }
0x28: {  	[sflag:s15] =	ssyncadd.s32 $0xFFFFF800  }
0x29: {  	[bflag:$0x0] =	sbarrier.arrive $0xFFFF  }
0x2a: {  	v18 =	vld [tilespmem:$0x5100]  }
0x2b: {  	v19 =	vld [tilespmem:$0x5110]  }
0x2c: {  	v20 =	vld [tilespmem:$0x5000]  }
0x2d: {  	v21 =	vld [tilespmem:$0x5010]  }
0x2e: {  	v22 =	vld [tilespmem:$0x5020]  }
0x2f: {  	v23 =	vld [tilespmem:$0x5030]  }
0x30: {  	v24 =	vld [tilespmem:$0x5040]  }
0x31: {  	v25 =	vld [tilespmem:$0x5050]  }
0x32: {  	v26 =	vld [tilespmem:$0x5060]  }
0x33: {  	v27 =	vld [tilespmem:$0x5070]  }
0x34: {  	v28 =	vld [tilespmem:$0x5080]  }
0x35: {  	v29 =	vld [tilespmem:$0x5090]  }
0x36: {  	v30 =	vld [tilespmem:$0x50A0]  }
0x37: {  	v33 =	vld [tilespmem:$0x50D0]  }
0x38: {  	v34 =	vld [tilespmem:$0x50E0]  }
0x39: {  	v35 =	vld [tilespmem:$0x50F0]  }
0x3a: {  	v31 =	vld [tilespmem:$0x50B0]  }
0x3b: {  	s2 =	simm.s32 $0x0;
	s1 =	simm.s32 $0x0;
	v32 =	vld [tilespmem:$0x50C0]  }
.LBB2_6:
0x3c: {  	s0 =	sshll.u32 s1, $0xB  }
0x3d: {  	s0 =	sadd.s32 s11, s0  }
0x3e: {  	s0 =	sshrl.u32 s0, $0x3  }
0x3f: {  	s9 =	sadd.s32 s5, s0  }
0x40: {  	[tilespmem:s2], [sflag:$0x7] =	stream.linear.gather [hbm4b:s9+s2], $0x800, $0x38;
	[tilespmem:$0x1D920] =	vst v63  }
0x41: {  	_ =	swait.ge [sflag:s15], $0x800  }
0x42: {  	[sflag:s15] =	ssyncset.done $0x0  }
0x43: {  	s0 =	sadd.s32 s6, s0;
	[sflag:s15] =	ssyncadd.s32 $0xFFFFF800  }
0x44: {  	[tilespmem:s18], [sflag:$0x7] =	stream.linear.gather [hbm4b:s0+s2], $0x800, $0x38;
	[tilespmem:$0x1D920] =	vst v63  }
0x45: {  	_ =	swait.ge [sflag:s15], $0x800  }
0x46: {  	[sflag:s15] =	ssyncset.done $0x0  }
0x47: {  	s30 =	simm.s32 $0x1000;
	[sflag:s15] =	ssyncadd.s32 $0xFFFFF800  }
0x48: {  	[tilespmem:s30], [sflag:$0x1] =	stream.indirect.gather [hbm4b:s7+s19], $0x18, s2, s19, $0xb8;
	[tilespmem:$0x1D920] =	vst v63  }
0x49: {  	s31 =	simm.s32 $0x2800;
	s14 =	simm.s32 $0x0  }
0x4a: {  	[tilespmem:s31], [sflag:$0x3] =	stream.indirect.gather [hbm4b:s8+s19], $0x18, s18, s19, $0xb8;
	[tilespmem:$0x1D920] =	vst v63  }
.LBB2_7:
0x4b: {  	s9 =	sshll.u32 s14, $0x8  }
0x4c: {  	s0 =	sor.u32 $0x80, s9  }
0x4d: {  	[tilespmem:s22], [sflag:$0x2] =	stream.indirect.gather [hbm4b:s7+s19], $0x18, s0, s19, $0xb8;
	[tilespmem:$0x1D920] =	vst v63  }
0x4e: {  	s16 =	sadd.s32 $0x880, s9  }
0x4f: {  	[tilespmem:s23], [sflag:$0x4] =	stream.indirect.gather [hbm4b:s8+s19], $0x18, s16, s19, $0xb8;
	[tilespmem:$0x1D920] =	vst v63  }
0x50: {  	_ =	swait.ge [sflag:s24], $0xC00  }
0x51: {  	[sflag:s24] =	ssyncset.done $0x0  }
0x52: {  	[sflag:s24] =	ssyncadd.s32 $0xFFFFF400  }
0x53: {  	s20 =	ssub.s32 $0x0, s14;
	_ =	swait.ge [sflag:s25], $0xC00  }
0x54: {  	p0 =	seq.s32 s1, s20;
	[sflag:s25] =	ssyncset.done $0x0  }
0x55: {  	s0 =	simm.s32 @!p0 $0x5;
	[sflag:s25] =	ssyncadd.s32 $0xFFFFF400  }
0x56: {  	_ =	swait.ge @!p0 [sflag:s0], $0x800  }
0x57: {  	[sflag:s0] =	ssyncset.done @!p0 $0x0  }
0x58: {  	s21 =	simm.s32 $0x1020;
	[sflag:s0] =	ssyncadd.s32 @!p0 $0xFFFFF800  }
0x59: {  	s12 =	simm.s32 $0x2820;
	v36 =	vld [tilespmem:s21+$0x0]  }
0x5a: {  	v37 =	vld [tilespmem:s12+$0x0]  }
0x5b: {  	v38 =	vld [tilespmem:s21+$0xFFFFFFE8]  }
0x5c: {  	v39 =	vld [tilespmem:s12+$0xFFFFFFE8];
	_ =	sdelay $0x3  }
0x5d: {  	v36 =	vsub.f32 v36, v37  }
0x5e: {  	v51 =	vsub.f32 v38, v39  }
0x5f: {  	v36 =	vmul.f32 v36, v36  }
0x60: {  	v37 =	vmul.f32 v51, v51  }
0x61: {  	v52 =	vperm.xlane v36, v1  }
0x62: {  	v53 =	vperm.xlane v37, v1  }
0x63: {  	v36 =	vadd.f32 v36, v52  }
0x64: {  	v37 =	vadd.f32 v37, v53  }
0x65: {  	v36 =	vperm.xlane v36, v2  }
0x66: {  	v37 =	vperm.xlane v37, v2  }
0x67: {  	v54 =	vshra.s32 v36, $0x1;
	v55 =	vmul.f32 $5.000000000e-01, v36  }
0x68: {  	v41 =	vshra.s32 v37, $0x1;
	v42 =	vmul.f32 $5.000000000e-01, v37;
	v38 =	vsub.s32 $0x5F3759DF, v54  }
0x69: {  	v41 =	vsub.s32 $0x5F3759DF, v41;
	v40 =	vmul.f32 v38, v55  }
0x6a: {  	v43 =	vmul.f32 v41, v42  }
0x6b: {  	v40 =	vmul.f32 v38, v40  }
0x6c: {  	v43 =	vmul.f32 v41, v43  }
0x6d: {  	v40 =	vsub.f32 $1.500000000e+00, v40  }
0x6e: {  	v56 =	vsub.f32 $1.500000000e+00, v43  }
0x6f: {  	v38 =	vmul.f32 v38, v40  }
0x70: {  	v40 =	vmul.f32 v41, v56  }
0x71: {  	v57 =	vmul.f32 v38, v55  }
0x72: {  	v59 =	vmul.f32 v40, v42  }
0x73: {  	v58 =	vmul.f32 v57, v38  }
0x74: {  	v43 =	vmul.f32 v59, v40  }
0x75: {  	v41 =	vsub.f32 $1.500000000e+00, v58  }
0x76: {  	v60 =	vsub.f32 $1.500000000e+00, v43  }
0x77: {  	s0 =	simm.s32 $0x1050;
	v38 =	vmul.f32 v41, v38  }
0x78: {  	s20 =	simm.s32 $0x2850;
	v49 =	vld [tilespmem:s0+$0x0];
	v40 =	vmul.f32 v60, v40  }
0x79: {  	v50 =	vld [tilespmem:s20+$0x0];
	v39 =	vmul.f32 v38, v55  }
0x7a: {  	v52 =	vld [tilespmem:s0+$0xFFFFFFE8];
	v41 =	vmul.f32 v40, v42  }
0x7b: {  	v53 =	vld [tilespmem:s20+$0xFFFFFFE8];
	v39 =	vmul.f32 v39, v38  }
0x7c: {  	v61 =	vld [tilespmem:s21+$0xFFFFFFF8];
	v41 =	vmul.f32 v41, v40  }
0x7d: {  	v62 =	vld [tilespmem:s12+$0xFFFFFFF8];
	v39 =	vsub.f32 $1.500000000e+00, v39  }
0x7e: {  	v63 =	vld [tilespmem:s12+$0xFFFFFFE0];
	v41 =	vsub.f32 $1.500000000e+00, v41  }
0x7f: {  	v44 =	vld [tilespmem:s21+$0xFFFFFFE0];
	v38 =	vmul.f32 v39, v38;
	v39 =	vsub.f32 v49, v50  }
0x80: {  	v46 =	vmul.f32 v41, v40;
	v41 =	vsub.f32 v52, v53  }
0x81: {  	v36 =	vmul.f32 v38, v36;
	v39 =	vmul.f32 v39, v39  }
0x82: {  	v37 =	vmul.f32 v46, v37;
	v41 =	vmul.f32 v41, v41  }
0x83: {  	v47 =	vadd.f32 v62, v61;
	v36 =	vmul.f32 v36, v18;
	v46 =	vperm.xlane v39, v1  }
0x84: {  	v48 =	vadd.f32 v63, v44;
	v37 =	vmul.f32 v37, v18;
	v62 =	vperm.xlane v41, v1  }
0x85: {  	v36 =	vadd.f32 v36, v47;
	v39 =	vadd.f32 v39, v46  }
0x86: {  	v37 =	vadd.f32 v37, v48;
	v41 =	vadd.f32 v41, v62  }
0x87: {  	v36 =	vmax.f32 v36, $0.0e+00;
	v47 =	vperm.xlane v39, v2  }
0x88: {  	v37 =	vmax.f32 v37, $0.0e+00;
	v41 =	vperm.xlane v41, v2;
	v51 =	vperm.xlane v36, v4  }
0x89: {  	v54 =	vperm.xlane v36, v3;
	v55 =	vperm.xlane v37, v4  }
0x8a: {  	v56 =	vperm.xlane v37, v3;
	v45 =	vperm.xlane v36, v5  }
0x8b: {  	v58 =	vperm.xlane v36, v6;
	v59 =	vperm.xlane v36, v7  }
0x8c: {  	v61 =	vperm.xlane v36, v8;
	v63 =	vperm.xlane v37, v5  }
0x8d: {  	v48 =	vperm.xlane v36, v10;
	v62 =	vperm.xlane v36, v13  }
0x8e: {  	v53 =	vmul.f32 $5.000000000e-01, v41;
	v38 =	vmul.f32 v51, v20  }
0x8f: {  	v43 =	vmul.f32 v54, v21;
	v44 =	vmul.f32 v55, v20  }
0x90: {  	v57 =	vmul.f32 v45, v22;
	v60 =	vmul.f32 v58, v23  }
0x91: {  	v40 =	vmul.f32 v56, v21;
	v42 =	vmul.f32 v59, v24;
	v38 =	vadd.f32 v38, v19  }
0x92: {  	v49 =	vld [tilespmem:s20+$0xFFFFFFE0];
	v52 =	vshra.s32 v41, $0x1;
	v54 =	vmul.f32 v61, v25;
	v55 =	vperm.xlane v36, v9  }
0x93: {  	v56 =	vshra.s32 v47, $0x1;
	v45 =	vmul.f32 $5.000000000e-01, v47;
	v51 =	vld [tilespmem:s0+$0xFFFFFFE0];
	v38 =	vadd.f32 v43, v38  }
0x94: {  	v39 =	vmul.f32 v63, v22;
	v58 =	vmul.f32 v48, v27;
	v48 =	vsub.s32 $0x5F3759DF, v52  }
0x95: {  	v59 =	vperm.xlane v36, v11;
	v43 =	vsub.s32 $0x5F3759DF, v56;
	v38 =	vadd.f32 v57, v38  }
0x96: {  	v52 =	vmul.f32 v48, v53;
	v50 =	vmul.f32 v43, v45  }
0x97: {  	v44 =	vadd.f32 v44, v19;
	v57 =	vperm.xlane v36, v2;
	v38 =	vadd.f32 v60, v38  }
0x98: {  	v49 =	vadd.f32 v49, v51;
	v50 =	vmul.f32 v43, v50;
	v60 =	vmul.f32 v48, v52  }
0x99: {  	v46 =	vmul.f32 v57, v28;
	v57 =	vperm.xlane v37, v6;
	v38 =	vadd.f32 v42, v38  }
0x9a: {  	v50 =	vsub.f32 $1.500000000e+00, v50;
	v42 =	vmul.f32 v55, v26;
	v51 =	vsub.f32 $1.500000000e+00, v60  }
0x9b: {  	v60 =	vmul.f32 v62, v31;
	v62 =	vperm.xlane v36, v15;
	v38 =	vadd.f32 v54, v38  }
0x9c: {  	v40 =	vadd.f32 v40, v44;
	v55 =	vperm.xlane v37, v12;
	v43 =	vmul.f32 v43, v50  }
0x9d: {  	v54 =	vperm.xlane v36, v12;
	v44 =	vmul.f32 v48, v51;
	v38 =	vadd.f32 v42, v38  }
0x9e: {  	v63 =	vmul.f32 v43, v45;
	v42 =	vmul.f32 v59, v29  }
0x9f: {  	v61 =	vmul.f32 v54, v30;
	v51 =	vmul.f32 v44, v53;
	v38 =	vadd.f32 v58, v38  }
0xa0: {  	v39 =	vadd.f32 v39, v40;
	v59 =	vmul.f32 v63, v43;
	v63 =	vperm.xlane v36, v16  }
0xa1: {  	v58 =	vperm.xlane v36, v14;
	v56 =	vmul.f32 v51, v44;
	v38 =	vadd.f32 v46, v38  }
0xa2: {  	v36 =	vperm.xlane v36, v17;
	v48 =	vsub.f32 $1.500000000e+00, v59;
	v59 =	vperm.xlane v37, v8  }
0xa3: {  	v46 =	vmul.f32 v62, v33;
	v40 =	vsub.f32 $1.500000000e+00, v56;
	v38 =	vadd.f32 v42, v38  }
0xa4: {  	v36 =	vmul.f32 v36, v35;
	v43 =	vmul.f32 v48, v43  }
0xa5: {  	v42 =	vmul.f32 v57, v23;
	v40 =	vmul.f32 v40, v44;
	v38 =	vadd.f32 v61, v38  }
0xa6: {  	v57 =	vmul.f32 v63, v34;
	v45 =	vmul.f32 v43, v45  }
0xa7: {  	v61 =	vmul.f32 v58, v32;
	v63 =	vmul.f32 v40, v53;
	v38 =	vadd.f32 v60, v38  }
0xa8: {  	v62 =	vmul.f32 v59, v25;
	v58 =	vperm.xlane v37, v7  }
0xa9: {  	v60 =	vmul.f32 v45, v43;
	v59 =	vmul.f32 v63, v40;
	v38 =	vadd.f32 v61, v38  }
0xaa: {  	v39 =	vadd.f32 v42, v39;
	v63 =	vperm.xlane v37, v2;
	v61 =	vmul.f32 v58, v24  }
0xab: {  	v56 =	vperm.xlane v37, v9;
	v42 =	vsub.f32 $1.500000000e+00, v60;
	v38 =	vadd.f32 v46, v38  }
0xac: {  	v48 =	vld [tilespmem:s0+$0xFFFFFFF8];
	v53 =	vperm.xlane v37, v11;
	v51 =	vmul.f32 v63, v28;
	v44 =	vadd.f32 v61, v39  }
0xad: {  	v58 =	vld [tilespmem:s20+$0xFFFFFFF8];
	v60 =	vmul.f32 v42, v43;
	v61 =	vmul.f32 v56, v26;
	v38 =	vadd.f32 v57, v38  }
0xae: {  	v56 =	vperm.xlane v37, v13;
	v57 =	vperm.xlane v37, v10  }
0xaf: {  	v62 =	vadd.f32 v62, v44;
	v44 =	vmul.f32 v53, v29;
	v39 =	vadd.f32 v36, v38  }
0xb0: {  	v50 =	vmul.f32 v57, v27;
	v36 =	vsub.f32 $1.500000000e+00, v59;
	v38 =	vmul.f32 v60, v47  }
0xb1: {  	s12 =	simm.s32 $0x2880;
	v42 =	vadd.f32 v61, v62;
	v59 =	vperm.xlane v37, v14;
	v62 =	vperm.xlane v37, v15  }
0xb2: {  	s21 =	simm.s32 $0x1080;
	v63 =	vld [tilespmem:s12+$0x0];
	v54 =	vadd.f32 v58, v48;
	v36 =	vmul.f32 v36, v40;
	v38 =	vmul.f32 v38, v18  }
0xb3: {  	v58 =	vmul.f32 v55, v30;
	v60 =	vld [tilespmem:s21+$0x0];
	v42 =	vadd.f32 v50, v42;
	v43 =	vmul.f32 v59, v32  }
0xb4: {  	v40 =	vmul.f32 v62, v33;
	v36 =	vmul.f32 v36, v41;
	v38 =	vadd.f32 v38, v54  }
0xb5: {  	v57 =	vadd.f32 v51, v42;
	v42 =	vmul.f32 v56, v31;
	v54 =	vperm.xlane v37, v16  }
0xb6: {  	v37 =	vperm.xlane v37, v17;
	v36 =	vmul.f32 v36, v18;
	v46 =	vmax.f32 v38, $0.0e+00  }
0xb7: {  	v61 =	vadd.f32 v44, v57;
	v48 =	vmul.f32 v54, v34;
	v53 =	vperm.xlane v46, v4  }
0xb8: {  	v44 =	vsub.f32 v60, v63;
	v56 =	vperm.xlane v46, v3;
	v57 =	vperm.xlane v46, v5  }
0xb9: {  	v60 =	vperm.xlane v46, v6;
	v63 =	vperm.xlane v46, v7  }
0xba: {  	v50 =	vld [tilespmem:s12+$0xFFFFFFE8];
	v36 =	vadd.f32 v36, v49;
	v44 =	vmul.f32 v44, v44;
	v55 =	vmul.f32 v53, v20  }
0xbb: {  	v38 =	vadd.f32 v58, v61;
	v49 =	vld [tilespmem:s21+$0xFFFFFFE8];
	v47 =	vmul.f32 v56, v21;
	v59 =	vmul.f32 v57, v22  }
0xbc: {  	v62 =	vmul.f32 v60, v23;
	v60 =	vperm.xlane v46, v8;
	v36 =	vmax.f32 v36, $0.0e+00  }
0xbd: {  	v57 =	vperm.xlane v44, v1;
	v41 =	vadd.f32 v55, v19;
	v58 =	vperm.xlane v36, v4  }
0xbe: {  	v38 =	vadd.f32 v42, v38;
	v61 =	vperm.xlane v36, v3;
	v55 =	vperm.xlane v46, v10  }
0xbf: {  	v56 =	vld [tilespmem:s12+$0xFFFFFFE0];
	v44 =	vadd.f32 v44, v57;
	v41 =	vadd.f32 v47, v41;
	v52 =	vmul.f32 v58, v20  }
0xc0: {  	v49 =	vsub.f32 v49, v50;
	v58 =	vld [tilespmem:s21+$0xFFFFFFE0];
	v42 =	vmul.f32 v61, v21;
	v61 =	vmul.f32 v60, v25  }
0xc1: {  	v57 =	vmul.f32 v55, v27;
	v44 =	vperm.xlane v44, v2  }
0xc2: {  	v60 =	vperm.xlane v46, v11;
	v41 =	vadd.f32 v59, v41;
	v49 =	vmul.f32 v49, v49  }
0xc3: {  	v43 =	vadd.f32 v43, v38;
	v59 =	vmul.f32 v63, v24;
	v51 =	vmul.f32 $5.000000000e-01, v44  }
0xc4: {  	v41 =	vadd.f32 v62, v41;
	v62 =	vperm.xlane v46, v9;
	v63 =	vperm.xlane v49, v1  }
0xc5: {  	v38 =	vadd.f32 v56, v58;
	v56 =	vshra.s32 v44, $0x1;
	v58 =	vperm.xlane v46, v2  }
0xc6: {  	v41 =	vadd.f32 v59, v41;
	v54 =	vmul.f32 v62, v26;
	v50 =	vsub.s32 $0x5F3759DF, v56  }
0xc7: {  	v49 =	vadd.f32 v49, v63;
	v62 =	vmul.f32 v60, v29;
	v55 =	vmul.f32 v50, v51  }
0xc8: {  	v63 =	vperm.xlane v46, v12;
	v56 =	vperm.xlane v36, v5;
	v41 =	vadd.f32 v61, v41  }
0xc9: {  	v49 =	vperm.xlane v49, v2;
	v55 =	vmul.f32 v50, v55  }
0xca: {  	v59 =	vmul.f32 v58, v28;
	v60 =	vmul.f32 v63, v30;
	v41 =	vadd.f32 v54, v41  }
0xcb: {  	v61 =	vshra.s32 v49, $0x1;
	v54 =	vmul.f32 $5.000000000e-01, v49;
	v55 =	vsub.f32 $1.500000000e+00, v55  }
0xcc: {  	v53 =	vsub.s32 $0x5F3759DF, v61;
	v61 =	vperm.xlane v46, v13;
	v41 =	vadd.f32 v57, v41  }
0xcd: {  	v57 =	vmul.f32 v53, v54;
	v50 =	vmul.f32 v50, v55  }
0xce: {  	v47 =	vmul.f32 v56, v22;
	v56 =	vmul.f32 v61, v31;
	v41 =	vadd.f32 v59, v41  }
0xcf: {  	v52 =	vadd.f32 v52, v19;
	v57 =	vmul.f32 v53, v57;
	v61 =	vmul.f32 v50, v51  }
0xd0: {  	v63 =	vperm.xlane v46, v14;
	v41 =	vadd.f32 v62, v41;
	v62 =	vperm.xlane v36, v6  }
0xd1: {  	v42 =	vadd.f32 v42, v52;
	v57 =	vsub.f32 $1.500000000e+00, v57;
	v55 =	vmul.f32 v61, v50  }
0xd2: {  	v41 =	vadd.f32 v60, v41;
	v45 =	vmul.f32 v62, v23;
	v60 =	vmul.f32 v63, v32  }
0xd3: {  	v42 =	vadd.f32 v47, v42;
	v53 =	vmul.f32 v53, v57;
	v63 =	vperm.xlane v46, v16  }
0xd4: {  	v62 =	vperm.xlane v46, v15;
	v46 =	vperm.xlane v46, v17;
	v55 =	vsub.f32 $1.500000000e+00, v55  }
0xd5: {  	v41 =	vadd.f32 v56, v41;
	v61 =	vmul.f32 v53, v54;
	v47 =	vmul.f32 v63, v34  }
0xd6: {  	v63 =	vperm.xlane v36, v7;
	v50 =	vmul.f32 v55, v50  }
0xd7: {  	v41 =	vadd.f32 v60, v41;
	v60 =	vmul.f32 v62, v33;
	v62 =	vmul.f32 v61, v53  }
0xd8: {  	v42 =	vadd.f32 v45, v42;
	v61 =	vmul.f32 v63, v24;
	v63 =	vperm.xlane v36, v9  }
0xd9: {  	v46 =	vmul.f32 v46, v35;
	v57 =	vmul.f32 v50, v51;
	v45 =	vsub.f32 $1.500000000e+00, v62  }
0xda: {  	v41 =	vadd.f32 v60, v41;
	v60 =	vperm.xlane v36, v8;
	v58 =	vmul.f32 v63, v26  }
0xdb: {  	v42 =	vadd.f32 v61, v42;
	v61 =	vperm.xlane v36, v2;
	v45 =	vmul.f32 v45, v53  }
0xdc: {  	v56 =	vmax.f32 v39, $0.0e+00;
	v39 =	vmul.f32 v57, v50;
	v62 =	vmul.f32 v60, v25  }
0xdd: {  	v40 =	vadd.f32 v40, v43;
	v57 =	vperm.xlane v36, v12;
	v59 =	vmul.f32 v45, v54  }
0xde: {  	v41 =	vadd.f32 v47, v41;
	v60 =	vperm.xlane v36, v10;
	v42 =	vadd.f32 v62, v42  }
0xdf: {  	v52 =	vld [tilespmem:s21+$0xFFFFFFF8];
	v47 =	vmul.f32 v61, v28;
	v39 =	vsub.f32 $1.500000000e+00, v39;
	v43 =	vmul.f32 v59, v45  }
0xe0: {  	v41 =	vadd.f32 v46, v41;
	v51 =	vmul.f32 v60, v27;
	v46 =	vld [tilespmem:s12+$0xFFFFFFF8];
	v42 =	vadd.f32 v58, v42  }
0xe1: {  	v61 =	vperm.xlane v36, v13;
	v50 =	vmul.f32 v39, v50;
	v43 =	vsub.f32 $1.500000000e+00, v43  }
0xe2: {  	v62 =	vperm.xlane v36, v11;
	v60 =	vmul.f32 v57, v30;
	v42 =	vadd.f32 v51, v42  }
0xe3: {  	v39 =	vadd.f32 v48, v40;
	v59 =	vmul.f32 v50, v44;
	v58 =	vmul.f32 v43, v45  }
0xe4: {  	v40 =	vmul.f32 v61, v31;
	v63 =	vmul.f32 v62, v29;
	v42 =	vadd.f32 v47, v42  }
0xe5: {  	v46 =	vadd.f32 v46, v52;
	v43 =	vmul.f32 v59, v18;
	v45 =	vmul.f32 v58, v49  }
0xe6: {  	s30 =	simm.s32 $0x4010;
	v41 =	vmax.f32 v41, $0.0e+00;
	v62 =	vadd.f32 v63, v42;
	v63 =	vperm.xlane v36, v14  }
0xe7: {  	s31 =	simm.s32 $0x4030;
	[tilespmem:s30+$0x0] =	vst v56;
	v44 =	vperm.xlane v36, v15;
	v42 =	vmul.f32 v45, v18;
	v45 =	vadd.f32 v43, v46  }
0xe8: {  	s0 =	simm.s32 $0x4030;
	s20 =	simm.s32 $0x4;
	s21 =	simm.s32 $0x10B0;
	[tilespmem:s31+$0x0] =	vst v41;
	v43 =	vadd.f32 v60, v62;
	v41 =	vmul.f32 v63, v32;
	v46 =	vperm.xlane v36, v16  }
.LBB2_8:
0xe9: {  	v47 =	vld [tilespmem:s21+$0x0];
	v38 =	vadd.f32 v42, v38;
	v42 =	vmax.f32 v45, $0.0e+00;
	s12 =	sadd.s32 $0x30, s12;
	v44 =	vmul.f32 v44, v33  }
0xea: {  	v45 =	vld [tilespmem:s12+$0x0];
	v48 =	vperm.xlane v42, v4;
	v43 =	vadd.f32 v40, v43;
	v40 =	vmul.f32 v46, v34  }
0xeb: {  	v49 =	vmul.f32 v37, v35;
	v37 =	vperm.xlane v36, v17;
	v46 =	vld [tilespmem:s21+$0xFFFFFFE8];
	v36 =	vmax.f32 v38, $0.0e+00  }
0xec: {  	s20 =	sadd.s32 $0x2, s20;
	v50 =	vperm.xlane v42, v3;
	v38 =	vld [tilespmem:s12+$0xFFFFFFE8];
	v48 =	vmul.f32 v48, v20;
	v43 =	vadd.f32 v41, v43  }
0xed: {  	p1 =	slt.u32 s20, $0x7E;
	v52 =	vperm.xlane v36, v4;
	v53 =	vperm.xlane v36, v3;
	v41 =	vadd.f32 v49, v39;
	v51 =	vld [tilespmem:s12+$0xFFFFFFE0]  }
0xee: {  	v49 =	vmul.f32 v50, v21;
	v50 =	vperm.xlane v42, v5;
	v39 =	vld [tilespmem:s21+$0xFFFFFFE0];
	v48 =	vadd.f32 v48, v19  }
0xef: {  	v45 =	vsub.f32 v47, v45;
	v47 =	vmul.f32 v52, v20;
	v52 =	vmul.f32 v53, v21  }
0xf0: {  	v48 =	vadd.f32 v49, v48;
	v49 =	vmul.f32 v50, v22;
	v50 =	vperm.xlane v42, v6  }
0xf1: {  	v38 =	vsub.f32 v46, v38;
	v45 =	vmul.f32 v45, v45;
	v46 =	vadd.f32 v47, v19  }
0xf2: {  	v47 =	vadd.f32 v49, v48;
	v48 =	vmul.f32 v50, v23;
	v49 =	vperm.xlane v42, v7  }
0xf3: {  	v50 =	vmul.f32 v38, v38;
	v38 =	vadd.f32 v51, v39;
	v39 =	vperm.xlane v45, v1  }
0xf4: {  	v47 =	vadd.f32 v48, v47;
	v48 =	vmul.f32 v49, v24;
	v49 =	vperm.xlane v42, v8  }
0xf5: {  	v51 =	vperm.xlane v50, v1;
	v39 =	vadd.f32 v45, v39;
	v45 =	vperm.xlane v36, v5  }
0xf6: {  	v47 =	vadd.f32 v48, v47;
	v48 =	vmul.f32 v49, v25;
	v49 =	vperm.xlane v42, v9  }
0xf7: {  	v50 =	vadd.f32 v50, v51;
	v51 =	vperm.xlane v39, v2;
	v39 =	vadd.f32 v52, v46  }
0xf8: {  	v46 =	vadd.f32 v48, v47;
	v47 =	vmul.f32 v49, v26;
	v48 =	vperm.xlane v42, v10  }
0xf9: {  	v45 =	vmul.f32 v45, v22;
	v49 =	vperm.xlane v50, v2;
	v50 =	vshra.s32 v51, $0x1  }
0xfa: {  	v46 =	vadd.f32 v47, v46;
	v47 =	vmul.f32 v48, v27;
	v48 =	vperm.xlane v42, v2  }
0xfb: {  	v53 =	vmul.f32 $5.000000000e-01, v51;
	v50 =	vsub.s32 $0x5F3759DF, v50;
	v52 =	vshra.s32 v49, $0x1  }
0xfc: {  	v46 =	vadd.f32 v47, v46;
	v47 =	vmul.f32 v48, v28;
	v48 =	vperm.xlane v42, v11  }
0xfd: {  	v54 =	vmul.f32 $5.000000000e-01, v49;
	v55 =	vmul.f32 v50, v53;
	v52 =	vsub.s32 $0x5F3759DF, v52  }
0xfe: {  	v46 =	vadd.f32 v47, v46;
	v47 =	vmul.f32 v48, v29;
	v48 =	vperm.xlane v42, v12  }
0xff: {  	v39 =	vadd.f32 v45, v39;
	v56 =	vmul.f32 v52, v54;
	v55 =	vmul.f32 v50, v55  }
0x100: {  	v45 =	vadd.f32 v47, v46;
	v46 =	vmul.f32 v48, v30;
	v47 =	vperm.xlane v42, v13  }
0x101: {  	v55 =	vsub.f32 $1.500000000e+00, v55;
	v48 =	vmul.f32 v52, v56;
	v56 =	vperm.xlane v36, v6  }
0x102: {  	v45 =	vadd.f32 v46, v45;
	v46 =	vmul.f32 v47, v31;
	v47 =	vperm.xlane v42, v14  }
0x103: {  	v50 =	vmul.f32 v50, v55;
	v48 =	vsub.f32 $1.500000000e+00, v48;
	v55 =	vmul.f32 v56, v23  }
0x104: {  	v45 =	vadd.f32 v46, v45;
	v46 =	vmul.f32 v47, v32;
	v47 =	vperm.xlane v42, v15  }
0x105: {  	v48 =	vmul.f32 v52, v48;
	v52 =	vmul.f32 v50, v53;
	v39 =	vadd.f32 v55, v39  }
0x106: {  	v45 =	vadd.f32 v46, v45;
	v46 =	vmul.f32 v47, v33;
	v47 =	vperm.xlane v42, v16  }
0x107: {  	v43 =	vadd.f32 v44, v43;
	v55 =	vmul.f32 v48, v54;
	v52 =	vmul.f32 v52, v50  }
0x108: {  	v42 =	vperm.xlane v42, v17;
	v44 =	vadd.f32 v46, v45;
	v45 =	vmul.f32 v47, v34  }
0x109: {  	v46 =	vmul.f32 v55, v48;
	v47 =	vsub.f32 $1.500000000e+00, v52;
	v52 =	vperm.xlane v36, v7  }
0x10a: {  	v55 =	vperm.xlane v36, v8;
	v42 =	vmul.f32 v42, v35;
	v44 =	vadd.f32 v45, v44  }
0x10b: {  	v45 =	vsub.f32 $1.500000000e+00, v46;
	v46 =	vmul.f32 v47, v50;
	v47 =	vmul.f32 v52, v24  }
0x10c: {  	v50 =	vmul.f32 v55, v25;
	v52 =	vperm.xlane v36, v9;
	v42 =	vadd.f32 v42, v44  }
0x10d: {  	v44 =	vmul.f32 v45, v48;
	v45 =	vmul.f32 v46, v53;
	v39 =	vadd.f32 v47, v39  }
0x10e: {  	s31 =	sadd.s32 $0x20, s31;
	v47 =	vmul.f32 v52, v26;
	v48 =	vperm.xlane v36, v10;
	v42 =	vmax.f32 v42, $0.0e+00  }
0x10f: {  	v52 =	vmul.f32 v44, v54;
	v45 =	vmul.f32 v45, v46;
	v50 =	vadd.f32 v50, v39;
	[tilespmem:s31+$0x0] =	vst v42  }
0x110: {  	v39 =	vadd.f32 v40, v43;
	v42 =	vmul.f32 v48, v27;
	v48 =	vperm.xlane v36, v2  }
0x111: {  	v40 =	vmul.f32 v52, v44;
	v45 =	vsub.f32 $1.500000000e+00, v45;
	v47 =	vadd.f32 v47, v50;
	v43 =	vld [tilespmem:s21+$0xFFFFFFF8]  }
0x112: {  	v41 =	vmax.f32 v41, $0.0e+00;
	v52 =	vperm.xlane v36, v11;
	v48 =	vmul.f32 v48, v28;
	v50 =	vld [tilespmem:s12+$0xFFFFFFF8]  }
0x113: {  	v40 =	vsub.f32 $1.500000000e+00, v40;
	v45 =	vmul.f32 v45, v46;
	v42 =	vadd.f32 v42, v47;
	[tilespmem:s30+$0xFFFFFFF0] =	vst v41;
	s30 =	smov.u32 s0;
	s0 =	smov.u32 s31  }
0x114: {  	v46 =	vperm.xlane v36, v12;
	v41 =	vmul.f32 v52, v29  }
0x115: {  	v40 =	vmul.f32 v40, v44;
	v44 =	vmul.f32 v45, v51;
	v42 =	vadd.f32 v48, v42  }
.Ltmp2:
0x116: {  	v46 =	vmul.f32 v46, v30;
	v45 =	vperm.xlane v36, v13;
	(pc) =	sbr.rel @p1 .LBB2_8-.Ltmp2, $4  }
0x117: {  	v47 =	vmul.f32 v40, v49;
	v44 =	vmul.f32 v44, v18;
	v43 =	vadd.f32 v50, v43  }
0x118: {  	v48 =	vperm.xlane v36, v14;
	v41 =	vadd.f32 v41, v42;
	v40 =	vmul.f32 v45, v31  }
0x119: {  	v42 =	vmul.f32 v47, v18;
	v45 =	vadd.f32 v44, v43;
	v44 =	vperm.xlane v36, v15  }
0x11a: {  	s21 =	sadd.s32 $0x30, s21;
	v43 =	vadd.f32 v46, v41;
	v41 =	vmul.f32 v48, v32;
	v46 =	vperm.xlane v36, v16  }
0x11b: {  	v45 =	vmax.f32 v45, $0.0e+00  }
0x11c: {  	v38 =	vadd.f32 v42, v38;
	v42 =	vmul.f32 v44, v33;
	v36 =	vperm.xlane v36, v17  }
0x11d: {  	v37 =	vmul.f32 v37, v35;
	v60 =	vperm.xlane v45, v4  }
0x11e: {  	v46 =	vmul.f32 v46, v34;
	v47 =	vperm.xlane v45, v3  }
0x11f: {  	v48 =	vperm.xlane v45, v5;
	v52 =	vperm.xlane v45, v6;
	v38 =	vmax.f32 v38, $0.0e+00  }
0x120: {  	v54 =	vperm.xlane v45, v7;
	v61 =	vperm.xlane v38, v4  }
0x121: {  	v40 =	vadd.f32 v40, v43;
	v58 =	vperm.xlane v45, v8;
	v44 =	vmul.f32 v60, v20  }
0x122: {  	v62 =	vperm.xlane v38, v3;
	v43 =	vmul.f32 v61, v20  }
0x123: {  	v47 =	vmul.f32 v47, v21;
	v40 =	vadd.f32 v41, v40;
	v44 =	vadd.f32 v44, v19  }
0x124: {  	v49 =	vperm.xlane v38, v5;
	v41 =	vmul.f32 v62, v21;
	v43 =	vadd.f32 v43, v19  }
0x125: {  	v36 =	vmul.f32 v36, v35;
	v63 =	vmul.f32 v48, v22;
	v44 =	vadd.f32 v47, v44  }
0x126: {  	v56 =	vperm.xlane v38, v6;
	v55 =	vmul.f32 v49, v22;
	v41 =	vadd.f32 v41, v43  }
0x127: {  	v53 =	vmul.f32 v52, v23;
	v57 =	vmul.f32 v54, v24;
	v44 =	vadd.f32 v63, v44  }
0x128: {  	v60 =	vperm.xlane v38, v7;
	v59 =	vmul.f32 v56, v23;
	v41 =	vadd.f32 v55, v41  }
0x129: {  	v50 =	vperm.xlane v38, v9;
	v61 =	vmul.f32 v58, v25;
	v44 =	vadd.f32 v53, v44  }
0x12a: {  	v49 =	vmul.f32 v60, v24;
	v63 =	vperm.xlane v38, v8;
	v41 =	vadd.f32 v59, v41  }
0x12b: {  	v62 =	vperm.xlane v45, v9;
	v56 =	vmul.f32 v50, v26;
	v44 =	vadd.f32 v57, v44  }
0x12c: {  	v60 =	vperm.xlane v45, v11;
	v43 =	vmul.f32 v63, v25;
	v41 =	vadd.f32 v49, v41  }
0x12d: {  	v52 =	vmul.f32 v62, v26;
	v53 =	vperm.xlane v45, v10;
	v44 =	vadd.f32 v61, v44  }
0x12e: {  	v40 =	vadd.f32 v42, v40;
	v57 =	vperm.xlane v38, v10;
	v41 =	vadd.f32 v43, v41  }
0x12f: {  	v55 =	vperm.xlane v45, v2;
	v54 =	vmul.f32 v53, v27;
	v44 =	vadd.f32 v52, v44  }
0x130: {  	v62 =	vperm.xlane v38, v2;
	v61 =	vmul.f32 v57, v27;
	v41 =	vadd.f32 v56, v41  }
0x131: {  	v40 =	vadd.f32 v46, v40;
	v59 =	vmul.f32 v55, v28;
	v58 =	vadd.f32 v54, v44  }
0x132: {  	v53 =	vmul.f32 v62, v28;
	v54 =	vperm.xlane v38, v11;
	v41 =	vadd.f32 v61, v41  }
0x133: {  	v63 =	vmul.f32 v60, v29;
	v52 =	vperm.xlane v45, v12;
	v43 =	vadd.f32 v59, v58  }
0x134: {  	v57 =	vmul.f32 v54, v29;
	v58 =	vperm.xlane v38, v12;
	v41 =	vadd.f32 v53, v41  }
0x135: {  	v55 =	vmul.f32 v52, v30;
	v56 =	vperm.xlane v45, v13;
	v43 =	vadd.f32 v63, v43  }
0x136: {  	v62 =	vperm.xlane v38, v13;
	v61 =	vmul.f32 v58, v30;
	v41 =	vadd.f32 v57, v41  }
0x137: {  	v60 =	vperm.xlane v45, v14;
	v59 =	vmul.f32 v56, v31;
	v43 =	vadd.f32 v55, v43  }
0x138: {  	v54 =	vperm.xlane v38, v14;
	v53 =	vmul.f32 v62, v31;
	v41 =	vadd.f32 v61, v41  }
0x139: {  	v52 =	vperm.xlane v45, v15;
	v63 =	vmul.f32 v60, v32;
	v43 =	vadd.f32 v59, v43  }
0x13a: {  	v50 =	vmul.f32 v54, v32;
	v57 =	vperm.xlane v38, v15;
	v41 =	vadd.f32 v53, v41  }
0x13b: {  	v56 =	vperm.xlane v45, v16;
	v55 =	vmul.f32 v52, v33;
	v43 =	vadd.f32 v63, v43  }
0x13c: {  	v59 =	vperm.xlane v38, v16;
	v60 =	vmul.f32 v57, v33;
	v41 =	vadd.f32 v50, v41  }
0x13d: {  	v45 =	vperm.xlane v45, v17;
	v58 =	vmul.f32 v56, v34;
	v43 =	vadd.f32 v55, v43  }
0x13e: {  	v38 =	vperm.xlane v38, v17;
	v63 =	vmul.f32 v59, v34;
	v41 =	vadd.f32 v60, v41  }
0x13f: {  	v37 =	vadd.f32 v37, v39;
	v62 =	vmul.f32 v45, v35;
	v61 =	vadd.f32 v58, v43  }
0x140: {  	v36 =	vadd.f32 v36, v40;
	v38 =	vmul.f32 v38, v35;
	v49 =	vadd.f32 v63, v41  }
0x141: {  	v37 =	vmax.f32 v37, $0.0e+00;
	v42 =	vadd.f32 v62, v61  }
0x142: {  	[tilespmem:s30+$0xFFFFFFF0] =	vst v37;
	v36 =	vmax.f32 v36, $0.0e+00;
	v38 =	vadd.f32 v38, v49  }
0x143: {  	s12 =	sadd.s32 $0x20, s31;
	[tilespmem:s0+$0xFFFFFFF0] =	vst v36;
	v50 =	vmax.f32 v42, $0.0e+00  }
0x144: {  	s21 =	sand.u32 $0x3FFFFF00, s9;
	[tilespmem:s12+$0x0] =	vst v50;
	v51 =	vmax.f32 v38, $0.0e+00  }
0x145: {  	p1 =	seq.s32 s14, $0x7;
	s0 =	sadd.s32 $0x800, s21;
	[tilespmem:s12+$0xFFFFFFF0] =	vst v51  }
0x146: {  	[spmem:s3] =	stream.indirect.scatter.add.f32 [tilespmem:s17], [sflag:$0x5], $0x10, s0, s19, $0xb8;
	[tilespmem:$0x1D920] =	vst v63  }
0x147: {  	s20 =	simm.s32 @!p1 $0x1000;
	s12 =	simm.s32 @!p1 $0x80;
	s0 =	sadd.s32 @!p1 $0x100, s9  }
0x148: {  	[tilespmem:s20], [sflag:$0x1] =	stream.indirect.gather @!p1 [hbm4b:s7+s12], $0x18, s0, s12, $0xb8;
	[tilespmem:$0x1D920] =	vst v63  }
0x149: {  	s0 =	sadd.s32 @!p1 $0x900, s9;
	s9 =	simm.s32 @!p1 $0x2800  }
0x14a: {  	[tilespmem:s9], [sflag:$0x3] =	stream.indirect.gather @!p1 [hbm4b:s8+s12], $0x18, s0, s12, $0xb8;
	[tilespmem:$0x1D920] =	vst v63  }
0x14b: {  	_ =	swait.ge [sflag:s26], $0xC00  }
0x14c: {  	[sflag:s26] =	ssyncset.done $0x0  }
0x14d: {  	[sflag:s26] =	ssyncadd.s32 $0xFFFFF400  }
0x14e: {  	_ =	swait.ge [sflag:s28], $0xC00  }
0x14f: {  	[sflag:s28] =	ssyncset.done $0x0  }
0x150: {  	s0 =	simm.s32 @!p0 $0x6;
	[sflag:s28] =	ssyncadd.s32 $0xFFFFF400  }
0x151: {  	_ =	swait.ge @!p0 [sflag:s0], $0x800  }
0x152: {  	[sflag:s0] =	ssyncset.done @!p0 $0x0  }
0x153: {  	s31 =	simm.s32 $0x1C20;
	[sflag:s0] =	ssyncadd.s32 @!p0 $0xFFFFF800  }
0x154: {  	s12 =	simm.s32 $0x3420;
	v52 =	vld [tilespmem:s31+$0x0]  }
0x155: {  	v53 =	vld [tilespmem:s12+$0x0]  }
0x156: {  	v54 =	vld [tilespmem:s31+$0xFFFFFFE8]  }
0x157: {  	v55 =	vld [tilespmem:s12+$0xFFFFFFE8];
	_ =	sdelay $0x3  }
0x158: {  	v36 =	vsub.f32 v52, v53  }
0x159: {  	v56 =	vsub.f32 v54, v55  }
0x15a: {  	v36 =	vmul.f32 v36, v36  }
0x15b: {  	v37 =	vmul.f32 v56, v56  }
0x15c: {  	v57 =	vperm.xlane v36, v1  }
0x15d: {  	v58 =	vperm.xlane v37, v1  }
0x15e: {  	v36 =	vadd.f32 v36, v57  }
0x15f: {  	v37 =	vadd.f32 v37, v58  }
0x160: {  	v36 =	vperm.xlane v36, v2  }
0x161: {  	v37 =	vperm.xlane v37, v2  }
0x162: {  	v59 =	vshra.s32 v36, $0x1;
	v60 =	vmul.f32 $5.000000000e-01, v36  }
0x163: {  	v62 =	vshra.s32 v37, $0x1;
	v63 =	vmul.f32 $5.000000000e-01, v37;
	v38 =	vsub.s32 $0x5F3759DF, v59  }
0x164: {  	v41 =	vsub.s32 $0x5F3759DF, v62;
	v61 =	vmul.f32 v38, v60  }
0x165: {  	v45 =	vmul.f32 v41, v63  }
0x166: {  	v40 =	vmul.f32 v38, v61  }
0x167: {  	v43 =	vmul.f32 v41, v45  }
0x168: {  	v40 =	vsub.f32 $1.500000000e+00, v40  }
0x169: {  	v46 =	vsub.f32 $1.500000000e+00, v43  }
0x16a: {  	v38 =	vmul.f32 v38, v40  }
0x16b: {  	v40 =	vmul.f32 v41, v46  }
0x16c: {  	v47 =	vmul.f32 v38, v60  }
0x16d: {  	v49 =	vmul.f32 v40, v63  }
0x16e: {  	v48 =	vmul.f32 v47, v38  }
0x16f: {  	v43 =	vmul.f32 v49, v40  }
0x170: {  	v41 =	vsub.f32 $1.500000000e+00, v48  }
0x171: {  	v50 =	vsub.f32 $1.500000000e+00, v43  }
0x172: {  	v38 =	vmul.f32 v41, v38  }
0x173: {  	v51 =	vld [tilespmem:s31+$0xFFFFFFF8];
	v40 =	vmul.f32 v50, v40  }
0x174: {  	s20 =	simm.s32 $0x1C50;
	v52 =	vld [tilespmem:s12+$0xFFFFFFF8];
	v39 =	vmul.f32 v38, v60  }
0x175: {  	s21 =	simm.s32 $0x3450;
	v58 =	vld [tilespmem:s20+$0x0];
	v41 =	vmul.f32 v40, v63  }
0x176: {  	v59 =	vld [tilespmem:s21+$0x0];
	v39 =	vmul.f32 v39, v38  }
0x177: {  	v53 =	vld [tilespmem:s12+$0xFFFFFFE0];
	v41 =	vmul.f32 v41, v40  }
0x178: {  	v62 =	vld [tilespmem:s21+$0xFFFFFFE8];
	v39 =	vsub.f32 $1.500000000e+00, v39  }
0x179: {  	v61 =	vld [tilespmem:s20+$0xFFFFFFE8];
	v41 =	vsub.f32 $1.500000000e+00, v41  }
0x17a: {  	v54 =	vld [tilespmem:s31+$0xFFFFFFE0];
	v38 =	vmul.f32 v39, v38  }
0x17b: {  	v55 =	vmul.f32 v41, v40;
	v39 =	vsub.f32 v58, v59  }
0x17c: {  	v36 =	vmul.f32 v38, v36  }
0x17d: {  	v37 =	vmul.f32 v55, v37;
	v39 =	vmul.f32 v39, v39  }
0x17e: {  	v56 =	vadd.f32 v52, v51;
	v41 =	vsub.f32 v61, v62;
	v36 =	vmul.f32 v36, v18  }
0x17f: {  	v57 =	vadd.f32 v53, v54;
	v37 =	vmul.f32 v37, v18;
	v54 =	vperm.xlane v39, v1  }
0x180: {  	v41 =	vmul.f32 v41, v41;
	v36 =	vadd.f32 v36, v56  }
0x181: {  	v37 =	vadd.f32 v37, v57;
	v39 =	vadd.f32 v39, v54  }
0x182: {  	v57 =	vperm.xlane v41, v1;
	v36 =	vmax.f32 v36, $0.0e+00  }
0x183: {  	v37 =	vmax.f32 v37, $0.0e+00;
	v47 =	vperm.xlane v39, v2;
	v60 =	vperm.xlane v36, v4  }
0x184: {  	v63 =	vperm.xlane v36, v3;
	v48 =	vperm.xlane v37, v4  }
0x185: {  	v49 =	vperm.xlane v37, v3;
	v50 =	vperm.xlane v36, v5  }
0x186: {  	v52 =	vperm.xlane v36, v6;
	v53 =	vperm.xlane v36, v7  }
0x187: {  	v56 =	vperm.xlane v36, v8;
	v58 =	vperm.xlane v37, v5  }
0x188: {  	v41 =	vadd.f32 v41, v57;
	v62 =	vperm.xlane v36, v10;
	v57 =	vperm.xlane v36, v2  }
0x189: {  	v54 =	vperm.xlane v36, v12;
	v45 =	vmul.f32 $5.000000000e-01, v47  }
0x18a: {  	v41 =	vperm.xlane v41, v2;
	v38 =	vmul.f32 v60, v20  }
0x18b: {  	v43 =	vmul.f32 v63, v21;
	v44 =	vmul.f32 v48, v20  }
0x18c: {  	v51 =	vmul.f32 v50, v22;
	v55 =	vmul.f32 v52, v23;
	v38 =	vadd.f32 v38, v19  }
0x18d: {  	v61 =	vshra.s32 v47, $0x1;
	v40 =	vmul.f32 v49, v21;
	v42 =	vmul.f32 v53, v24  }
0x18e: {  	v59 =	vmul.f32 v56, v25;
	v60 =	vperm.xlane v36, v9;
	v38 =	vadd.f32 v43, v38  }
0x18f: {  	v39 =	vmul.f32 v58, v22;
	v58 =	vmul.f32 v62, v27;
	v43 =	vsub.s32 $0x5F3759DF, v61  }
0x190: {  	v46 =	vmul.f32 v57, v28;
	v56 =	vmul.f32 v43, v45;
	v38 =	vadd.f32 v51, v38  }
0x191: {  	v63 =	vld [tilespmem:s21+$0xFFFFFFE0];
	v62 =	vperm.xlane v36, v13;
	v52 =	vshra.s32 v41, $0x1;
	v53 =	vmul.f32 $5.000000000e-01, v41  }
0x192: {  	v48 =	vsub.s32 $0x5F3759DF, v52;
	v51 =	vld [tilespmem:s20+$0xFFFFFFE0];
	v50 =	vmul.f32 v43, v56;
	v38 =	vadd.f32 v55, v38  }
0x193: {  	v57 =	vperm.xlane v37, v6;
	v52 =	vmul.f32 v48, v53  }
0x194: {  	v61 =	vmul.f32 v54, v30;
	v50 =	vsub.f32 $1.500000000e+00, v50;
	v38 =	vadd.f32 v42, v38  }
0x195: {  	v44 =	vadd.f32 v44, v19;
	v42 =	vmul.f32 v60, v26;
	v60 =	vmul.f32 v48, v52  }
0x196: {  	v55 =	vperm.xlane v37, v12;
	v43 =	vmul.f32 v43, v50;
	v38 =	vadd.f32 v59, v38  }
0x197: {  	v49 =	vadd.f32 v63, v51;
	v59 =	vperm.xlane v36, v11;
	v51 =	vsub.f32 $1.500000000e+00, v60  }
0x198: {  	v60 =	vmul.f32 v62, v31;
	v63 =	vmul.f32 v43, v45;
	v38 =	vadd.f32 v42, v38  }
0x199: {  	v40 =	vadd.f32 v40, v44;
	v62 =	vperm.xlane v36, v15;
	v44 =	vmul.f32 v48, v51  }
0x19a: {  	v42 =	vmul.f32 v59, v29;
	v59 =	vmul.f32 v63, v43;
	v38 =	vadd.f32 v58, v38  }
0x19b: {  	v63 =	vperm.xlane v36, v16;
	v51 =	vmul.f32 v44, v53  }
0x19c: {  	v58 =	vperm.xlane v36, v14;
	v36 =	vperm.xlane v36, v17;
	v38 =	vadd.f32 v46, v38  }
0x19d: {  	v48 =	vsub.f32 $1.500000000e+00, v59;
	v59 =	vperm.xlane v37, v8;
	v56 =	vmul.f32 v51, v44  }
0x19e: {  	v46 =	vmul.f32 v62, v33;
	v36 =	vmul.f32 v36, v35;
	v38 =	vadd.f32 v42, v38  }
0x19f: {  	v39 =	vadd.f32 v39, v40;
	v43 =	vmul.f32 v48, v43;
	v62 =	vmul.f32 v59, v25  }
0x1a0: {  	v42 =	vmul.f32 v57, v23;
	v40 =	vsub.f32 $1.500000000e+00, v56;
	v38 =	vadd.f32 v61, v38  }
0x1a1: {  	v57 =	vmul.f32 v63, v34;
	v45 =	vmul.f32 v43, v45  }
0x1a2: {  	v61 =	vmul.f32 v58, v32;
	v40 =	vmul.f32 v40, v44;
	v38 =	vadd.f32 v60, v38  }
0x1a3: {  	v58 =	vperm.xlane v37, v7;
	v60 =	vmul.f32 v45, v43  }
0x1a4: {  	v56 =	vperm.xlane v37, v9;
	v63 =	vmul.f32 v40, v53;
	v38 =	vadd.f32 v61, v38  }
0x1a5: {  	v39 =	vadd.f32 v42, v39;
	v61 =	vmul.f32 v58, v24;
	v42 =	vsub.f32 $1.500000000e+00, v60  }
0x1a6: {  	v59 =	vmul.f32 v63, v40;
	v63 =	vperm.xlane v37, v2;
	v38 =	vadd.f32 v46, v38  }
0x1a7: {  	v48 =	vld [tilespmem:s20+$0xFFFFFFF8];
	v53 =	vperm.xlane v37, v11;
	v44 =	vadd.f32 v61, v39;
	v60 =	vmul.f32 v42, v43  }
0x1a8: {  	v58 =	vld [tilespmem:s21+$0xFFFFFFF8];
	v61 =	vmul.f32 v56, v26;
	v51 =	vmul.f32 v63, v28;
	v38 =	vadd.f32 v57, v38  }
0x1a9: {  	v56 =	vperm.xlane v37, v13;
	v57 =	vperm.xlane v37, v10  }
0x1aa: {  	v62 =	vadd.f32 v62, v44;
	v44 =	vmul.f32 v53, v29;
	v39 =	vadd.f32 v36, v38  }
0x1ab: {  	v50 =	vmul.f32 v57, v27;
	v36 =	vsub.f32 $1.500000000e+00, v59;
	v38 =	vmul.f32 v60, v47  }
0x1ac: {  	s9 =	simm.s32 $0x3480;
	v42 =	vadd.f32 v61, v62;
	v59 =	vperm.xlane v37, v14;
	v62 =	vperm.xlane v37, v15  }
0x1ad: {  	s31 =	simm.s32 $0x1C80;
	v63 =	vld [tilespmem:s9+$0x0];
	v54 =	vadd.f32 v58, v48;
	v36 =	vmul.f32 v36, v40;
	v38 =	vmul.f32 v38, v18  }
0x1ae: {  	v58 =	vmul.f32 v55, v30;
	v60 =	vld [tilespmem:s31+$0x0];
	v42 =	vadd.f32 v50, v42;
	v43 =	vmul.f32 v59, v32  }
0x1af: {  	v40 =	vmul.f32 v62, v33;
	v36 =	vmul.f32 v36, v41;
	v38 =	vadd.f32 v38, v54  }
0x1b0: {  	v57 =	vadd.f32 v51, v42;
	v42 =	vmul.f32 v56, v31;
	v54 =	vperm.xlane v37, v16  }
0x1b1: {  	v37 =	vperm.xlane v37, v17;
	v36 =	vmul.f32 v36, v18;
	v46 =	vmax.f32 v38, $0.0e+00  }
0x1b2: {  	v61 =	vadd.f32 v44, v57;
	v48 =	vmul.f32 v54, v34;
	v53 =	vperm.xlane v46, v4  }
0x1b3: {  	v44 =	vsub.f32 v60, v63;
	v56 =	vperm.xlane v46, v3;
	v57 =	vperm.xlane v46, v5  }
0x1b4: {  	v60 =	vperm.xlane v46, v6;
	v63 =	vperm.xlane v46, v7  }
0x1b5: {  	v50 =	vld [tilespmem:s9+$0xFFFFFFE8];
	v36 =	vadd.f32 v36, v49;
	v44 =	vmul.f32 v44, v44;
	v55 =	vmul.f32 v53, v20  }
0x1b6: {  	v38 =	vadd.f32 v58, v61;
	v49 =	vld [tilespmem:s31+$0xFFFFFFE8];
	v47 =	vmul.f32 v56, v21;
	v59 =	vmul.f32 v57, v22  }
0x1b7: {  	v62 =	vmul.f32 v60, v23;
	v60 =	vperm.xlane v46, v8;
	v36 =	vmax.f32 v36, $0.0e+00  }
0x1b8: {  	v57 =	vperm.xlane v44, v1;
	v41 =	vadd.f32 v55, v19;
	v58 =	vperm.xlane v36, v4  }
0x1b9: {  	v38 =	vadd.f32 v42, v38;
	v61 =	vperm.xlane v36, v3;
	v55 =	vperm.xlane v46, v10  }
0x1ba: {  	v56 =	vld [tilespmem:s9+$0xFFFFFFE0];
	v44 =	vadd.f32 v44, v57;
	v41 =	vadd.f32 v47, v41;
	v52 =	vmul.f32 v58, v20  }
0x1bb: {  	v49 =	vsub.f32 v49, v50;
	v58 =	vld [tilespmem:s31+$0xFFFFFFE0];
	v42 =	vmul.f32 v61, v21;
	v61 =	vmul.f32 v60, v25  }
0x1bc: {  	v57 =	vmul.f32 v55, v27;
	v44 =	vperm.xlane v44, v2  }
0x1bd: {  	v60 =	vperm.xlane v46, v11;
	v41 =	vadd.f32 v59, v41;
	v49 =	vmul.f32 v49, v49  }
0x1be: {  	v43 =	vadd.f32 v43, v38;
	v59 =	vmul.f32 v63, v24;
	v51 =	vmul.f32 $5.000000000e-01, v44  }
0x1bf: {  	v41 =	vadd.f32 v62, v41;
	v62 =	vperm.xlane v46, v9;
	v63 =	vperm.xlane v49, v1  }
0x1c0: {  	v38 =	vadd.f32 v56, v58;
	v56 =	vshra.s32 v44, $0x1;
	v58 =	vperm.xlane v46, v2  }
0x1c1: {  	v41 =	vadd.f32 v59, v41;
	v54 =	vmul.f32 v62, v26;
	v50 =	vsub.s32 $0x5F3759DF, v56  }
0x1c2: {  	v49 =	vadd.f32 v49, v63;
	v62 =	vmul.f32 v60, v29;
	v55 =	vmul.f32 v50, v51  }
0x1c3: {  	v63 =	vperm.xlane v46, v12;
	v56 =	vperm.xlane v36, v5;
	v41 =	vadd.f32 v61, v41  }
0x1c4: {  	v49 =	vperm.xlane v49, v2;
	v55 =	vmul.f32 v50, v55  }
0x1c5: {  	v59 =	vmul.f32 v58, v28;
	v60 =	vmul.f32 v63, v30;
	v41 =	vadd.f32 v54, v41  }
0x1c6: {  	v61 =	vshra.s32 v49, $0x1;
	v54 =	vmul.f32 $5.000000000e-01, v49;
	v55 =	vsub.f32 $1.500000000e+00, v55  }
0x1c7: {  	v53 =	vsub.s32 $0x5F3759DF, v61;
	v61 =	vperm.xlane v46, v13;
	v41 =	vadd.f32 v57, v41  }
0x1c8: {  	v57 =	vmul.f32 v53, v54;
	v50 =	vmul.f32 v50, v55  }
0x1c9: {  	v47 =	vmul.f32 v56, v22;
	v56 =	vmul.f32 v61, v31;
	v41 =	vadd.f32 v59, v41  }
0x1ca: {  	v52 =	vadd.f32 v52, v19;
	v57 =	vmul.f32 v53, v57;
	v61 =	vmul.f32 v50, v51  }
0x1cb: {  	v63 =	vperm.xlane v46, v14;
	v41 =	vadd.f32 v62, v41;
	v62 =	vperm.xlane v36, v6  }
0x1cc: {  	v42 =	vadd.f32 v42, v52;
	v57 =	vsub.f32 $1.500000000e+00, v57;
	v55 =	vmul.f32 v61, v50  }
0x1cd: {  	v41 =	vadd.f32 v60, v41;
	v45 =	vmul.f32 v62, v23;
	v60 =	vmul.f32 v63, v32  }
0x1ce: {  	v42 =	vadd.f32 v47, v42;
	v53 =	vmul.f32 v53, v57;
	v63 =	vperm.xlane v46, v16  }
0x1cf: {  	v62 =	vperm.xlane v46, v15;
	v46 =	vperm.xlane v46, v17;
	v55 =	vsub.f32 $1.500000000e+00, v55  }
0x1d0: {  	v41 =	vadd.f32 v56, v41;
	v61 =	vmul.f32 v53, v54;
	v47 =	vmul.f32 v63, v34  }
0x1d1: {  	v63 =	vperm.xlane v36, v7;
	v50 =	vmul.f32 v55, v50  }
0x1d2: {  	v41 =	vadd.f32 v60, v41;
	v60 =	vmul.f32 v62, v33;
	v62 =	vmul.f32 v61, v53  }
0x1d3: {  	v42 =	vadd.f32 v45, v42;
	v61 =	vmul.f32 v63, v24;
	v63 =	vperm.xlane v36, v9  }
0x1d4: {  	v46 =	vmul.f32 v46, v35;
	v57 =	vmul.f32 v50, v51;
	v45 =	vsub.f32 $1.500000000e+00, v62  }
0x1d5: {  	v41 =	vadd.f32 v60, v41;
	v60 =	vperm.xlane v36, v8;
	v58 =	vmul.f32 v63, v26  }
0x1d6: {  	v42 =	vadd.f32 v61, v42;
	v61 =	vperm.xlane v36, v2;
	v45 =	vmul.f32 v45, v53  }
0x1d7: {  	v56 =	vmax.f32 v39, $0.0e+00;
	v39 =	vmul.f32 v57, v50;
	v62 =	vmul.f32 v60, v25  }
0x1d8: {  	v40 =	vadd.f32 v40, v43;
	v57 =	vperm.xlane v36, v12;
	v59 =	vmul.f32 v45, v54  }
0x1d9: {  	v41 =	vadd.f32 v47, v41;
	v60 =	vperm.xlane v36, v10;
	v42 =	vadd.f32 v62, v42  }
0x1da: {  	v52 =	vld [tilespmem:s31+$0xFFFFFFF8];
	v47 =	vmul.f32 v61, v28;
	v39 =	vsub.f32 $1.500000000e+00, v39;
	v43 =	vmul.f32 v59, v45  }
0x1db: {  	v41 =	vadd.f32 v46, v41;
	v51 =	vmul.f32 v60, v27;
	v46 =	vld [tilespmem:s9+$0xFFFFFFF8];
	v42 =	vadd.f32 v58, v42  }
0x1dc: {  	v61 =	vperm.xlane v36, v13;
	v50 =	vmul.f32 v39, v50;
	v43 =	vsub.f32 $1.500000000e+00, v43  }
0x1dd: {  	v62 =	vperm.xlane v36, v11;
	v60 =	vmul.f32 v57, v30;
	v42 =	vadd.f32 v51, v42  }
0x1de: {  	v39 =	vadd.f32 v48, v40;
	v59 =	vmul.f32 v50, v44;
	v58 =	vmul.f32 v43, v45  }
0x1df: {  	v40 =	vmul.f32 v61, v31;
	v63 =	vmul.f32 v62, v29;
	v42 =	vadd.f32 v47, v42  }
0x1e0: {  	v46 =	vadd.f32 v46, v52;
	v43 =	vmul.f32 v59, v18;
	v45 =	vmul.f32 v58, v49  }
0x1e1: {  	s12 =	simm.s32 $0x4810;
	v41 =	vmax.f32 v41, $0.0e+00;
	v62 =	vadd.f32 v63, v42;
	v63 =	vperm.xlane v36, v14  }
0x1e2: {  	s30 =	simm.s32 $0x4830;
	[tilespmem:s12+$0x0] =	vst v56;
	v44 =	vperm.xlane v36, v15;
	v42 =	vmul.f32 v45, v18;
	v45 =	vadd.f32 v43, v46  }
0x1e3: {  	s0 =	simm.s32 $0x4830;
	s20 =	simm.s32 $0x4;
	s21 =	simm.s32 $0x1CB0;
	[tilespmem:s30+$0x0] =	vst v41;
	v43 =	vadd.f32 v60, v62;
	v41 =	vmul.f32 v63, v32;
	v46 =	vperm.xlane v36, v16  }
.LBB2_10:
0x1e4: {  	v47 =	vld [tilespmem:s21+$0x0];
	v38 =	vadd.f32 v42, v38;
	v42 =	vmax.f32 v45, $0.0e+00;
	s9 =	sadd.s32 $0x30, s9;
	v44 =	vmul.f32 v44, v33  }
0x1e5: {  	v45 =	vld [tilespmem:s9+$0x0];
	v48 =	vperm.xlane v42, v4;
	v43 =	vadd.f32 v40, v43;
	v40 =	vmul.f32 v46, v34  }
0x1e6: {  	v49 =	vmul.f32 v37, v35;
	v37 =	vperm.xlane v36, v17;
	v46 =	vld [tilespmem:s21+$0xFFFFFFE8];
	v36 =	vmax.f32 v38, $0.0e+00  }
0x1e7: {  	s20 =	sadd.s32 $0x2, s20;
	v50 =	vperm.xlane v42, v3;
	v38 =	vld [tilespmem:s9+$0xFFFFFFE8];
	v48 =	vmul.f32 v48, v20;
	v43 =	vadd.f32 v41, v43  }
0x1e8: {  	p0 =	slt.u32 s20, $0x7E;
	v52 =	vperm.xlane v36, v4;
	v53 =	vperm.xlane v36, v3;
	v41 =	vadd.f32 v49, v39;
	v51 =	vld [tilespmem:s9+$0xFFFFFFE0]  }
0x1e9: {  	v49 =	vmul.f32 v50, v21;
	v50 =	vperm.xlane v42, v5;
	v39 =	vld [tilespmem:s21+$0xFFFFFFE0];
	v48 =	vadd.f32 v48, v19  }
0x1ea: {  	v45 =	vsub.f32 v47, v45;
	v47 =	vmul.f32 v52, v20;
	v52 =	vmul.f32 v53, v21  }
0x1eb: {  	v48 =	vadd.f32 v49, v48;
	v49 =	vmul.f32 v50, v22;
	v50 =	vperm.xlane v42, v6  }
0x1ec: {  	v38 =	vsub.f32 v46, v38;
	v45 =	vmul.f32 v45, v45;
	v46 =	vadd.f32 v47, v19  }
0x1ed: {  	v47 =	vadd.f32 v49, v48;
	v48 =	vmul.f32 v50, v23;
	v49 =	vperm.xlane v42, v7  }
0x1ee: {  	v50 =	vmul.f32 v38, v38;
	v38 =	vadd.f32 v51, v39;
	v39 =	vperm.xlane v45, v1  }
0x1ef: {  	v47 =	vadd.f32 v48, v47;
	v48 =	vmul.f32 v49, v24;
	v49 =	vperm.xlane v42, v8  }
0x1f0: {  	v51 =	vperm.xlane v50, v1;
	v39 =	vadd.f32 v45, v39;
	v45 =	vperm.xlane v36, v5  }
0x1f1: {  	v47 =	vadd.f32 v48, v47;
	v48 =	vmul.f32 v49, v25;
	v49 =	vperm.xlane v42, v9  }
0x1f2: {  	v50 =	vadd.f32 v50, v51;
	v51 =	vperm.xlane v39, v2;
	v39 =	vadd.f32 v52, v46  }
0x1f3: {  	v46 =	vadd.f32 v48, v47;
	v47 =	vmul.f32 v49, v26;
	v48 =	vperm.xlane v42, v10  }
0x1f4: {  	v45 =	vmul.f32 v45, v22;
	v49 =	vperm.xlane v50, v2;
	v50 =	vshra.s32 v51, $0x1  }
0x1f5: {  	v46 =	vadd.f32 v47, v46;
	v47 =	vmul.f32 v48, v27;
	v48 =	vperm.xlane v42, v2  }
0x1f6: {  	v53 =	vmul.f32 $5.000000000e-01, v51;
	v50 =	vsub.s32 $0x5F3759DF, v50;
	v52 =	vshra.s32 v49, $0x1  }
0x1f7: {  	v46 =	vadd.f32 v47, v46;
	v47 =	vmul.f32 v48, v28;
	v48 =	vperm.xlane v42, v11  }
0x1f8: {  	v54 =	vmul.f32 $5.000000000e-01, v49;
	v55 =	vmul.f32 v50, v53;
	v52 =	vsub.s32 $0x5F3759DF, v52  }
0x1f9: {  	v46 =	vadd.f32 v47, v46;
	v47 =	vmul.f32 v48, v29;
	v48 =	vperm.xlane v42, v12  }
0x1fa: {  	v39 =	vadd.f32 v45, v39;
	v56 =	vmul.f32 v52, v54;
	v55 =	vmul.f32 v50, v55  }
0x1fb: {  	v45 =	vadd.f32 v47, v46;
	v46 =	vmul.f32 v48, v30;
	v47 =	vperm.xlane v42, v13  }
0x1fc: {  	v55 =	vsub.f32 $1.500000000e+00, v55;
	v48 =	vmul.f32 v52, v56;
	v56 =	vperm.xlane v36, v6  }
0x1fd: {  	v45 =	vadd.f32 v46, v45;
	v46 =	vmul.f32 v47, v31;
	v47 =	vperm.xlane v42, v14  }
0x1fe: {  	v50 =	vmul.f32 v50, v55;
	v48 =	vsub.f32 $1.500000000e+00, v48;
	v55 =	vmul.f32 v56, v23  }
0x1ff: {  	v45 =	vadd.f32 v46, v45;
	v46 =	vmul.f32 v47, v32;
	v47 =	vperm.xlane v42, v15  }
0x200: {  	v48 =	vmul.f32 v52, v48;
	v52 =	vmul.f32 v50, v53;
	v39 =	vadd.f32 v55, v39  }
0x201: {  	v45 =	vadd.f32 v46, v45;
	v46 =	vmul.f32 v47, v33;
	v47 =	vperm.xlane v42, v16  }
0x202: {  	v43 =	vadd.f32 v44, v43;
	v55 =	vmul.f32 v48, v54;
	v52 =	vmul.f32 v52, v50  }
0x203: {  	v42 =	vperm.xlane v42, v17;
	v44 =	vadd.f32 v46, v45;
	v45 =	vmul.f32 v47, v34  }
0x204: {  	v46 =	vmul.f32 v55, v48;
	v47 =	vsub.f32 $1.500000000e+00, v52;
	v52 =	vperm.xlane v36, v7  }
0x205: {  	v55 =	vperm.xlane v36, v8;
	v42 =	vmul.f32 v42, v35;
	v44 =	vadd.f32 v45, v44  }
0x206: {  	v45 =	vsub.f32 $1.500000000e+00, v46;
	v46 =	vmul.f32 v47, v50;
	v47 =	vmul.f32 v52, v24  }
0x207: {  	v50 =	vmul.f32 v55, v25;
	v52 =	vperm.xlane v36, v9;
	v42 =	vadd.f32 v42, v44  }
0x208: {  	v44 =	vmul.f32 v45, v48;
	v45 =	vmul.f32 v46, v53;
	v39 =	vadd.f32 v47, v39  }
0x209: {  	s30 =	sadd.s32 $0x20, s30;
	v47 =	vmul.f32 v52, v26;
	v48 =	vperm.xlane v36, v10;
	v42 =	vmax.f32 v42, $0.0e+00  }
0x20a: {  	v52 =	vmul.f32 v44, v54;
	v45 =	vmul.f32 v45, v46;
	v50 =	vadd.f32 v50, v39;
	[tilespmem:s30+$0x0] =	vst v42  }
0x20b: {  	v39 =	vadd.f32 v40, v43;
	v42 =	vmul.f32 v48, v27;
	v48 =	vperm.xlane v36, v2  }
0x20c: {  	v40 =	vmul.f32 v52, v44;
	v45 =	vsub.f32 $1.500000000e+00, v45;
	v47 =	vadd.f32 v47, v50;
	v43 =	vld [tilespmem:s21+$0xFFFFFFF8]  }
0x20d: {  	v41 =	vmax.f32 v41, $0.0e+00;
	v52 =	vperm.xlane v36, v11;
	v48 =	vmul.f32 v48, v28;
	v50 =	vld [tilespmem:s9+$0xFFFFFFF8]  }
0x20e: {  	v40 =	vsub.f32 $1.500000000e+00, v40;
	v45 =	vmul.f32 v45, v46;
	v42 =	vadd.f32 v42, v47;
	[tilespmem:s12+$0xFFFFFFF0] =	vst v41;
	s12 =	smov.u32 s0;
	s0 =	smov.u32 s30  }
0x20f: {  	v46 =	vperm.xlane v36, v12;
	v41 =	vmul.f32 v52, v29  }
0x210: {  	v40 =	vmul.f32 v40, v44;
	v44 =	vmul.f32 v45, v51;
	v42 =	vadd.f32 v48, v42  }
.Ltmp3:
0x211: {  	v46 =	vmul.f32 v46, v30;
	v45 =	vperm.xlane v36, v13;
	(pc) =	sbr.rel @p0 .LBB2_10-.Ltmp3, $4  }
0x212: {  	v47 =	vmul.f32 v40, v49;
	v44 =	vmul.f32 v44, v18;
	v43 =	vadd.f32 v50, v43  }
0x213: {  	v48 =	vperm.xlane v36, v14;
	v41 =	vadd.f32 v41, v42;
	v40 =	vmul.f32 v45, v31  }
0x214: {  	v42 =	vmul.f32 v47, v18;
	v45 =	vadd.f32 v44, v43;
	v44 =	vperm.xlane v36, v15  }
0x215: {  	s21 =	sadd.s32 $0x30, s21;
	v43 =	vadd.f32 v46, v41;
	v41 =	vmul.f32 v48, v32;
	v46 =	vperm.xlane v36, v16  }
0x216: {  	v45 =	vmax.f32 v45, $0.0e+00  }
0x217: {  	v38 =	vadd.f32 v42, v38;
	v42 =	vmul.f32 v44, v33;
	v36 =	vperm.xlane v36, v17  }
0x218: {  	v37 =	vmul.f32 v37, v35;
	v52 =	vperm.xlane v45, v4  }
0x219: {  	v46 =	vmul.f32 v46, v34;
	v47 =	vperm.xlane v45, v3  }
0x21a: {  	v48 =	vperm.xlane v45, v5;
	v56 =	vperm.xlane v45, v6;
	v38 =	vmax.f32 v38, $0.0e+00  }
0x21b: {  	v58 =	vperm.xlane v45, v7;
	v53 =	vperm.xlane v38, v4  }
0x21c: {  	v40 =	vadd.f32 v40, v43;
	v62 =	vperm.xlane v45, v8;
	v44 =	vmul.f32 v52, v20  }
0x21d: {  	v54 =	vperm.xlane v38, v3;
	v43 =	vmul.f32 v53, v20  }
0x21e: {  	v47 =	vmul.f32 v47, v21;
	v40 =	vadd.f32 v41, v40;
	v44 =	vadd.f32 v44, v19  }
0x21f: {  	v49 =	vperm.xlane v38, v5;
	v41 =	vmul.f32 v54, v21;
	v43 =	vadd.f32 v43, v19  }
0x220: {  	v36 =	vmul.f32 v36, v35;
	v55 =	vmul.f32 v48, v22;
	v44 =	vadd.f32 v47, v44  }
0x221: {  	v60 =	vperm.xlane v38, v6;
	v59 =	vmul.f32 v49, v22;
	v41 =	vadd.f32 v41, v43  }
0x222: {  	v57 =	vmul.f32 v56, v23;
	v61 =	vmul.f32 v58, v24;
	v44 =	vadd.f32 v55, v44  }
0x223: {  	v52 =	vperm.xlane v38, v7;
	v63 =	vmul.f32 v60, v23;
	v41 =	vadd.f32 v59, v41  }
0x224: {  	v58 =	vperm.xlane v38, v9;
	v53 =	vmul.f32 v62, v25;
	v44 =	vadd.f32 v57, v44  }
0x225: {  	v49 =	vmul.f32 v52, v24;
	v55 =	vperm.xlane v38, v8;
	v41 =	vadd.f32 v63, v41  }
0x226: {  	v54 =	vperm.xlane v45, v9;
	v60 =	vperm.xlane v45, v2;
	v44 =	vadd.f32 v61, v44  }
0x227: {  	v52 =	vperm.xlane v38, v2;
	v43 =	vmul.f32 v55, v25;
	v41 =	vadd.f32 v49, v41  }
0x228: {  	v56 =	vmul.f32 v54, v26;
	v57 =	vperm.xlane v45, v10;
	v44 =	vadd.f32 v53, v44  }
0x229: {  	v61 =	vperm.xlane v38, v10;
	v49 =	vmul.f32 v58, v26;
	v41 =	vadd.f32 v43, v41  }
0x22a: {  	v40 =	vadd.f32 v42, v40;
	v59 =	vmul.f32 v57, v27;
	v44 =	vadd.f32 v56, v44  }
0x22b: {  	v62 =	vmul.f32 v60, v28;
	v43 =	vmul.f32 v61, v27;
	v41 =	vadd.f32 v49, v41  }
0x22c: {  	v54 =	vperm.xlane v45, v12;
	v63 =	vperm.xlane v45, v11;
	v44 =	vadd.f32 v59, v44  }
0x22d: {  	v55 =	vperm.xlane v38, v11;
	v49 =	vmul.f32 v52, v28;
	v41 =	vadd.f32 v43, v41  }
0x22e: {  	v60 =	vperm.xlane v45, v14;
	v53 =	vmul.f32 v63, v29;
	v44 =	vadd.f32 v62, v44  }
0x22f: {  	v58 =	vperm.xlane v38, v12;
	v43 =	vmul.f32 v55, v29;
	v41 =	vadd.f32 v49, v41  }
0x230: {  	v57 =	vperm.xlane v45, v13;
	v56 =	vmul.f32 v54, v30;
	v44 =	vadd.f32 v53, v44  }
0x231: {  	v61 =	vperm.xlane v38, v13;
	v49 =	vmul.f32 v58, v30;
	v41 =	vadd.f32 v43, v41  }
0x232: {  	v40 =	vadd.f32 v46, v40;
	v59 =	vmul.f32 v57, v31;
	v44 =	vadd.f32 v56, v44  }
0x233: {  	v52 =	vperm.xlane v38, v14;
	v43 =	vmul.f32 v61, v31;
	v41 =	vadd.f32 v49, v41  }
0x234: {  	v63 =	vperm.xlane v45, v15;
	v62 =	vmul.f32 v60, v32;
	v44 =	vadd.f32 v59, v44  }
0x235: {  	v55 =	vperm.xlane v38, v15;
	v49 =	vmul.f32 v52, v32;
	v41 =	vadd.f32 v43, v41  }
0x236: {  	v54 =	vperm.xlane v45, v16;
	v53 =	vmul.f32 v63, v33;
	v44 =	vadd.f32 v62, v44  }
0x237: {  	v57 =	vperm.xlane v38, v16;
	v43 =	vmul.f32 v55, v33;
	v41 =	vadd.f32 v49, v41  }
0x238: {  	v45 =	vperm.xlane v45, v17;
	v56 =	vmul.f32 v54, v34;
	v44 =	vadd.f32 v53, v44  }
0x239: {  	v60 =	vmul.f32 v57, v34;
	v38 =	vperm.xlane v38, v17;
	v41 =	vadd.f32 v43, v41  }
0x23a: {  	v37 =	vadd.f32 v37, v39;
	v59 =	vmul.f32 v45, v35;
	v58 =	vadd.f32 v56, v44  }
0x23b: {  	s14 =	sadd.s32 $0x1, s14;
	v36 =	vadd.f32 v36, v40;
	v38 =	vmul.f32 v38, v35;
	v61 =	vadd.f32 v60, v41  }
0x23c: {  	p0 =	sne.s32 s14, $0x8;
	v37 =	vmax.f32 v37, $0.0e+00;
	v42 =	vadd.f32 v59, v58  }
.Ltmp4:
0x23d: {  	[tilespmem:s12+$0xFFFFFFF0] =	vst v37;
	v36 =	vmax.f32 v36, $0.0e+00;
	v38 =	vadd.f32 v38, v61;
	(pc) =	sbr.rel @p0 .LBB2_7-.Ltmp4, $4  }
0x23e: {  	s9 =	sadd.s32 $0x20, s30;
	[tilespmem:s0+$0xFFFFFFF0] =	vst v36;
	v62 =	vmax.f32 v42, $0.0e+00  }
0x23f: {  	[tilespmem:s9+$0x0] =	vst v62;
	v63 =	vmax.f32 v38, $0.0e+00  }
0x240: {  	[tilespmem:s9+$0xFFFFFFF0] =	vst v63  }
0x241: {  	[spmem:s3] =	stream.indirect.scatter.add.f32 [tilespmem:s29], [sflag:$0x6], $0x10, s16, s19, $0xb8;
	[tilespmem:$0x1D920] =	vst v63  }
0x242: {  	s1 =	sadd.s32 $0x1, s1  }
0x243: {  	p0 =	sne.s32 s1, $0x62  }
.Ltmp5:
0x244: {  	_ = 	snop;
	(pc) =	sbr.rel @p0 .LBB2_6-.Ltmp5, $1  }
0x245: {  	_ =	sdelay $0x3  }
0x246: {  	s0 =	simm.s32 $0x5  }
0x247: {  	_ =	swait.ge [sflag:s0], $0x800  }
0x248: {  	[sflag:s0] =	ssyncset.done $0x0  }
0x249: {  	s30 =	simm.s32 $0x6;
	[sflag:s0] =	ssyncadd.s32 $0xFFFFF800  }
0x24a: {  	_ =	swait.ge [sflag:s30], $0x800  }
0x24b: {  	[sflag:s30] =	ssyncset.done $0x0  }
0x24c: {  	[sflag:s30] =	ssyncadd.s32 $0xFFFFF800  }
0x24d: {  	[bflag:$0x0] =	sbarrier.arrive $0xFFFF  }
0x24e: {  	[tilespmem:s17], [sflag:$0x7] =	stream.linear.gather [spmem:s10], $0x800, $0x38;
	[tilespmem:$0x1D920] =	vst v63  }
0x24f: {  	_ =	swait.ge [sflag:s15], $0x800  }
0x250: {  	[sflag:s15] =	ssyncset.done $0x0  }
0x251: {  	s31 =	sadd.s32 $0x0, s13;
	[sflag:s15] =	ssyncadd.s32 $0xFFFFF800  }
0x252: {  	[hbm4b:s31+s4] =	stream.linear.scatter [tilespmem:s17], [sflag:$0x7], $0x800, $0x38;
	[tilespmem:$0x1D920] =	vst v63  }
0x253: {  	_ =	swait.ge [sflag:s15], $0x800  }
0x254: {  	s1 =	smov.u32 s10;
	s0 =	simm.s32 $0x100;
	[sflag:s15] =	ssyncset.done $0x0  }
.LBB2_14:
0x255: {  	p0 =	sne.s32 s0, $0x3000;
	[sflag:s15] =	ssyncadd.s32 $0xFFFFF800;
	s1 =	sadd.s32 $0x800, s1  }
0x256: {  	[tilespmem:s17], [sflag:$0x7] =	stream.linear.gather [spmem:s1], $0x800, $0x38;
	[tilespmem:$0x1D920] =	vst v63  }
0x257: {  	s2 =	smov.u32 s0;
	s0 =	sadd.s32 $0x100, s0;
	_ =	swait.ge [sflag:s15], $0x800  }
.Ltmp6:
0x258: {  	[sflag:s15] =	ssyncset.done $0x0;
	(pc) =	sbr.rel @p0 .LBB2_14-.Ltmp6, $4  }
0x259: {  	s2 =	sadd.s32 s2, s13;
	[sflag:s15] =	ssyncadd.s32 $0xFFFFF800  }
0x25a: {  	[hbm4b:s2+s4] =	stream.linear.scatter [tilespmem:s17], [sflag:$0x7], $0x800, $0x38;
	[tilespmem:$0x1D920] =	vst v63  }
0x25b: {  	_ =	swait.ge [sflag:s15], $0x800  }
0x25c: {  	[sflag:s15] =	ssyncset.done $0x0  }
0x25d: {  	s1 =	rddreg [dreg:$0x6]  }
0x25e: {  	s0 =	rddreg [dreg:$0x5];
	s1 =	sadd.s32 $0x1, s1  }
0x25f: {  	p0 =	sne.s32 s1, s0  }
.Ltmp7:
0x260: {  	_ = 	snop;
	(pc) =	sbr.rel @p0 .LBB2_1-.Ltmp7, $2  }
0x261: {  	_ =	sdelay $0x2  }
0x262: {  	[sflag:s15] =	ssyncadd.s32 $0xFFFFF800  }
0x263: {  	_ =	sfence.sel $0x180000  }
0x264: {  	[bflag:$0x0] =	sbarrier.arrive $0xFFFF  }
0x265: {  	_ =	strace $0x90000047  }
0x266: {  	s0 =	stileid.u32;
	[bflag:$0x2] =	sbarrier.arrive $0xFFFF  }
0x267: {  	p0 =	sne.s32 s0, $0x0;
	s0 =	rddreg [dreg:$0x3]  }
0x268: {  	s0 =	sadd.s32 @!p0 $0x100000, s0  }
0x269: {  	[sflag:s0] =	ssyncadd.tile.s32 @!p0 $0x1;
	_ =	shalt  }
.Lfunc_end2:
_tile_overlayer_lowered:
.L_overlay_start_2:
0x26a: {  	(tag) =	ssettag $0x2  }
0x26b: {  	s0 =	rddreg [dreg:$0x0];
	s2 =	stileid.u32  }
0x26c: {  	s1 =	rddreg [dreg:$0x1];
	p0 =	sne.s32 s2, $0x0  }
0x26d: {  	s3 =	rddreg [dreg:$0x2];
	[bflag:$0x3] =	sbarrier.arrive $0xFFFF;
	s2 =	simm.s32 @!p0 $0x1C07  }
0x26e: {  	[timem:s3], [sflag:s2] =	dma.local @!p0 [hbm:s0], s1  }
0x26f: {  	s0 =	simm.s32 @!p0 $0x7  }
0x270: {  	_ =	swait.ge @!p0 [sflag:s0], s1  }
0x271: {  	s1 =	ssub.s32 @!p0 $0x0, s1;
	[sflag:s0] =	ssyncset.done @!p0 $0x0  }
0x272: {  	[sflag:s0] =	ssyncadd.s32 @!p0 s1  }
0x273: {  	[bflag:$0x3] =	sbarrier.arrive $0xFFFF  }
0x274: {  	_ =	shalt  }

</sc_bundles>
